<compile_context>
chip_gen: v7x
topology: tpu7x:2x2x1
jax: 0.10.2.dev20260603
libtpu: 0.0.44.dev20260713+nightly
codegen_flags: <defaults>
</compile_context>

<pallas_src>
import functools

import jax
import jax.numpy as jnp
from jax import lax
from jax.experimental import pallas as pl
from jax.experimental.pallas import tpu as pltpu
from jax.experimental.pallas import tpu_sc as plsc

_RATIO = 0.5
_RADIUS = 0.2
_K = 64
_BIG = 2**30
_IP = False


def _fps_body(px_ref, py_ref, pz_ref, bf_ref, sel_ref, cx_ref, cy_ref,
              cz_ref, cb_ref, *, n, m):
    rows = px_ref.shape[0]
    sb, sl = sel_ref.shape
    fio = (lax.broadcasted_iota(jnp.int32, (rows, 128), 0) * 128
           + lax.broadcasted_iota(jnp.int32, (rows, 128), 1))
    sio = (lax.broadcasted_iota(jnp.int32, (sb, sl), 0) * sl
           + lax.broadcasted_iota(jnp.int32, (sb, sl), 1))
    valid = fio < n
    px = px_ref[...]
    py = py_ref[...]
    pz = pz_ref[...]
    bf = bf_ref[...]
    eq0 = fio == 0
    p0x = jnp.sum(jnp.where(eq0, px, 0.0))
    p0y = jnp.sum(jnp.where(eq0, py, 0.0))
    p0z = jnp.sum(jnp.where(eq0, pz, 0.0))
    b0 = jnp.sum(jnp.where(eq0, bf, 0.0))
    dists0 = jnp.where(valid, jnp.inf, -jnp.inf)
    u0 = sio == 0
    carry0 = (dists0,
              jnp.zeros((sb, sl), jnp.int32),
              jnp.where(u0, p0x, 0.0), jnp.where(u0, p0y, 0.0),
              jnp.where(u0, p0z, 0.0), jnp.where(u0, b0, 0.0),
              p0x, p0y, p0z)

    def body(i, c):
        dists, selb, cxb, cyb, czb, cbb, lx, ly, lz = c
        dx = px - lx
        dy = py - ly
        dz = pz - lz
        d2 = dx * dx + dy * dy + dz * dz
        dists = jnp.minimum(dists, d2)
        mval = jnp.max(dists)
        eqm = dists == mval
        sidx = jnp.min(jnp.where(eqm, fio, _BIG))
        eqs = fio == sidx
        nlx = jnp.sum(jnp.where(eqs, px, 0.0))
        nly = jnp.sum(jnp.where(eqs, py, 0.0))
        nlz = jnp.sum(jnp.where(eqs, pz, 0.0))
        nbv = jnp.sum(jnp.where(eqs, bf, 0.0))
        upd = sio == i
        return (dists,
                jnp.where(upd, sidx, selb),
                jnp.where(upd, nlx, cxb), jnp.where(upd, nly, cyb),
                jnp.where(upd, nlz, czb), jnp.where(upd, nbv, cbb),
                nlx, nly, nlz)

    c = lax.fori_loop(1, m, body, carry0)
    sel_ref[...] = c[1]
    cx_ref[...] = c[2]
    cy_ref[...] = c[3]
    cz_ref[...] = c[4]
    cb_ref[...] = c[5]


def _run_fps(pos, batch, n, m):
    rows = -(-n // 128)
    npad = rows * 128
    sl = 512
    sb = -(-m // sl)
    posp = jnp.pad(pos, ((0, npad - n), (0, 0)))
    bfp = jnp.pad(batch.astype(jnp.float32), (0, npad - n))
    px = posp[:, 0].reshape(rows, 128)
    py = posp[:, 1].reshape(rows, 128)
    pz = posp[:, 2].reshape(rows, 128)
    bf = bfp.reshape(rows, 128)
    outs = pl.pallas_call(
        functools.partial(_fps_body, n=n, m=m),
        out_shape=[jax.ShapeDtypeStruct((sb, sl), jnp.int32)]
        + [jax.ShapeDtypeStruct((sb, sl), jnp.float32)] * 4,
        interpret=_IP,
    )(px, py, pz, bf)
    selb, cxb, cyb, czb, cbb = outs
    sel = selb.reshape(-1)[:m]
    cx = cxb.reshape(-1)[:m]
    cy = cyb.reshape(-1)[:m]
    cz = czb.reshape(-1)[:m]
    cb = cbb.reshape(-1)[:m]
    centers = jnp.stack([cx, cy, cz], axis=1)
    return sel, centers, cb.astype(jnp.int32)


def _topk_body(cx_ref, cy_ref, cz_ref, bc_ref, px_ref, py_ref, pz_ref,
               bt_ref, nbr_ref, msk_ref, d2_ref, *, n, k, r2):
    npad = px_ref.shape[1]
    bm = cx_ref.shape[0]
    dx = cx_ref[...] - px_ref[...]
    dy = cy_ref[...] - py_ref[...]
    dz = cz_ref[...] - pz_ref[...]
    d2 = dx * dx + dy * dy + dz * dz
    fio = lax.broadcasted_iota(jnp.int32, (bm, npad), 1)
    ok = (d2 <= r2) & (fio < n) & (bc_ref[...] == bt_ref[...])
    d2_ref[...] = jnp.where(ok, d2, jnp.inf)
    kio = lax.broadcasted_iota(jnp.int32, (bm, k), 1)

    def body(s, c):
        nbrb, mskb = c
        dv = d2_ref[...]
        mrow = jnp.min(dv, axis=1, keepdims=True)
        eq = dv == mrow
        idx = jnp.min(jnp.where(eq, fio, _BIG), axis=1, keepdims=True)
        d2_ref[...] = jnp.where(eq, jnp.inf, dv)
        vld = mrow < jnp.inf
        upd = kio == s
        nbrb = jnp.where(upd, jnp.where(vld, idx, 0), nbrb)
        mskb = jnp.where(upd, vld.astype(jnp.float32), mskb)
        return nbrb, mskb

    nbrb, mskb = lax.fori_loop(
        0, k, body,
        (jnp.zeros((bm, k), jnp.int32), jnp.zeros((bm, k), jnp.float32)))
    nbr_ref[...] = nbrb
    msk_ref[...] = mskb


def _run_topk(centers, bc, pos, batch, n, m, k):
    bm = 128
    mp = -(-m // bm) * bm
    rows = -(-n // 128)
    npad = rows * 128
    posp = jnp.pad(pos, ((0, npad - n), (0, 0)))
    cxp = jnp.pad(centers[:, 0], (0, mp - m), constant_values=1e9)
    cyp = jnp.pad(centers[:, 1], (0, mp - m), constant_values=1e9)
    czp = jnp.pad(centers[:, 2], (0, mp - m), constant_values=1e9)
    bcp = jnp.pad(bc, (0, mp - m)).reshape(mp, 1)
    btp = jnp.pad(batch, (0, npad - n)).reshape(1, npad)
    grid = mp // bm
    cspec = pl.BlockSpec((bm, 1), lambda i: (i, 0))
    pspec = pl.BlockSpec((1, npad), lambda i: (0, 0))
    nbr, msk = pl.pallas_call(
        functools.partial(_topk_body, n=n, k=k, r2=_RADIUS * _RADIUS),
        grid=(grid,),
        in_specs=[cspec, cspec, cspec, cspec, pspec, pspec, pspec, pspec],
        out_specs=[pl.BlockSpec((bm, k), lambda i: (i, 0))] * 2,
        out_shape=[jax.ShapeDtypeStruct((mp, k), jnp.int32),
                   jax.ShapeDtypeStruct((mp, k), jnp.float32)],
        scratch_shapes=[pltpu.VMEM((bm, npad), jnp.float32)],
        interpret=_IP,
    )(cxp.reshape(mp, 1), cyp.reshape(mp, 1), czp.reshape(mp, 1), bcp,
      posp[:, 0].reshape(1, npad), posp[:, 1].reshape(1, npad),
      posp[:, 2].reshape(1, npad), btp)
    return nbr[:m], msk[:m]


def _sc_gather(table, idxs):
    e, d = idxs.shape[0], table.shape[1]
    ch = 128
    nchunks = e // ch
    info = plsc.get_sparse_core_info()
    nc, ns = info.num_cores, info.num_subcores
    nw = nc * ns
    mesh = plsc.VectorSubcoreMesh(core_axis_name="c", subcore_axis_name="s")

    @functools.partial(
        pl.kernel, mesh=mesh,
        out_type=jax.ShapeDtypeStruct((e, d), jnp.float32),
        scratch_types=[pltpu.VMEM((ch,), jnp.int32),
                       pltpu.VMEM((ch, d), jnp.float32),
                       pltpu.SemaphoreType.DMA])
    def gk(table_hbm, idx_hbm, out_hbm, idx_v, rows_v, sem):
        wid = lax.axis_index("s") * nc + lax.axis_index("c")
        nmine = (nchunks - wid + nw - 1) // nw

        def it(t, _):
            base = (wid + t * nw) * ch
            pltpu.sync_copy(idx_hbm.at[pl.ds(base, ch)], idx_v)
            pltpu.async_copy(table_hbm.at[idx_v], rows_v, sem).wait()
            pltpu.sync_copy(rows_v, out_hbm.at[pl.ds(base, ch)])
            return 0

        lax.fori_loop(0, nmine, it, 0, unroll=False)

    return gk(table, idxs)


def _mlp1_body(e_ref, c_ref, m_ref, w_ref, b_ref, h_ref, s1_ref, s2_ref,
               cn_ref, *, kk):
    be, dp = e_ref.shape
    g = be // kk

    @pl.when(pl.program_id(0) == 0)
    def _():
        s1_ref[...] = jnp.zeros_like(s1_ref)
        s2_ref[...] = jnp.zeros_like(s2_ref)
        cn_ref[...] = jnp.zeros_like(cn_ref)

    e3 = e_ref[...].reshape(g, kk, dp) - c_ref[0][:, None, :]
    h = jnp.dot(e3.reshape(be, dp), w_ref[...],
                preferred_element_type=jnp.float32) + b_ref[...]
    h = jnp.maximum(h, 0.0)
    h_ref[...] = h
    m3 = m_ref[...]
    hm = h * m3
    s1_ref[...] += jnp.sum(hm, axis=0, keepdims=True)
    s2_ref[...] += jnp.sum(hm * h, axis=0, keepdims=True)
    cn_ref[...] += jnp.sum(m3)


def _mlp2_body(h_ref, m_ref, sc_ref, sh_ref, w_ref, b_ref, o_ref, s1_ref,
               s2_ref, *, kk):
    be = h_ref.shape[0]

    @pl.when(pl.program_id(0) == 0)
    def _():
        s1_ref[...] = jnp.zeros_like(s1_ref)
        s2_ref[...] = jnp.zeros_like(s2_ref)

    h1n = h_ref[...] * sc_ref[...] + sh_ref[...]
    h2 = jnp.dot(h1n, w_ref[...], preferred_element_type=jnp.float32)
    h2 = jnp.maximum(h2 + b_ref[...], 0.0)
    o_ref[...] = h2
    m3 = m_ref[...]
    hm = h2 * m3
    s1_ref[...] += jnp.sum(hm, axis=0, keepdims=True)
    s2_ref[...] += jnp.sum(hm * h2, axis=0, keepdims=True)


def _final_body(h_ref, m_ref, sc_ref, sh_ref, o_ref, *, kk):
    be, do = h_ref.shape
    g = be // kk
    h2n = h_ref[...] * sc_ref[...] + sh_ref[...]
    h2n = jnp.where(m_ref[...] > 0, h2n, -jnp.inf)
    o_ref[...] = jnp.max(h2n.reshape(g, kk, do), axis=1)


def _bn_affine(s1, s2, cn, g, be, eps=1e-5):
    cnt = jnp.maximum(cn, 1.0)
    mean = s1 / cnt
    var = jnp.maximum(s2 / cnt - mean * mean, 0.0)
    scale = g / jnp.sqrt(var + eps)
    return scale, be - mean * scale


def kernel(x, pos, batch, W1, b1, g1, be1, W2, b2, g2, be2):
    n, din = x.shape
    m = int(n * _RATIO)
    k = _K
    dim = din + 3
    dp = -(-dim // 128) * 128
    do = W2.shape[1]
    e = m * k

    sel, centers, bc = _run_fps(pos, batch, n, m)
    nbr, msk = _run_topk(centers, bc, pos, batch, n, m, k)

    table = jnp.concatenate(
        [x, pos, jnp.zeros((n, dp - dim), jnp.float32)], axis=1)
    edges = _sc_gather(table, nbr.reshape(-1))

    be_blk = 512
    grid = e // be_blk
    g_blk = be_blk // k
    cpad = jnp.concatenate(
        [jnp.zeros((m, din), jnp.float32), centers,
         jnp.zeros((m, dp - dim), jnp.float32)], axis=1)
    cpad3 = cpad.reshape(grid, g_blk, dp)
    mcol = msk.reshape(e, 1)
    w1p = jnp.pad(W1, ((0, dp - dim), (0, dp - dim)))
    b1p = jnp.pad(b1, (0, dp - dim)).reshape(1, dp)
    g1p = jnp.pad(g1, (0, dp - dim))
    be1p = jnp.pad(be1, (0, dp - dim))
    w2p = jnp.pad(W2, ((0, dp - dim), (0, 0)))
    b2p = b2.reshape(1, do)

    espec = pl.BlockSpec((be_blk, dp), lambda i: (i, 0))
    cspec = pl.BlockSpec((1, g_blk, dp), lambda i: (i, 0, 0))
    mspec = pl.BlockSpec((be_blk, 1), lambda i: (i, 0))
    wspec = pl.BlockSpec((dp, dp), lambda i: (0, 0))
    rspec = pl.BlockSpec((1, dp), lambda i: (0, 0))
    w2spec = pl.BlockSpec((dp, do), lambda i: (0, 0))
    r2spec = pl.BlockSpec((1, do), lambda i: (0, 0))

    h1, s1, s2, cn = pl.pallas_call(
        functools.partial(_mlp1_body, kk=k),
        grid=(grid,),
        in_specs=[espec, cspec, mspec, wspec, rspec],
        out_specs=[espec, rspec, rspec,
                   pl.BlockSpec((1, 1), lambda i: (0, 0))],
        out_shape=[jax.ShapeDtypeStruct((e, dp), jnp.float32),
                   jax.ShapeDtypeStruct((1, dp), jnp.float32),
                   jax.ShapeDtypeStruct((1, dp), jnp.float32),
                   jax.ShapeDtypeStruct((1, 1), jnp.float32)],
        interpret=_IP,
    )(edges, cpad3, mcol, w1p, b1p)

    sc1, sh1 = _bn_affine(s1, s2, cn[0, 0], g1p.reshape(1, dp),
                          be1p.reshape(1, dp))

    h2, t1, t2 = pl.pallas_call(
        functools.partial(_mlp2_body, kk=k),
        grid=(grid,),
        in_specs=[espec, mspec, rspec, rspec, w2spec, r2spec],
        out_specs=[pl.BlockSpec((be_blk, do), lambda i: (i, 0)),
                   r2spec, r2spec],
        out_shape=[jax.ShapeDtypeStruct((e, do), jnp.float32),
                   jax.ShapeDtypeStruct((1, do), jnp.float32),
                   jax.ShapeDtypeStruct((1, do), jnp.float32)],
        interpret=_IP,
    )(h1, mcol, sc1, sh1, w2p, b2p)

    sc2, sh2 = _bn_affine(t1, t2, cn[0, 0], g2.reshape(1, do),
                          be2.reshape(1, do))

    out = pl.pallas_call(
        functools.partial(_final_body, kk=k),
        grid=(grid,),
        in_specs=[pl.BlockSpec((be_blk, do), lambda i: (i, 0)), mspec,
                  r2spec, r2spec],
        out_specs=pl.BlockSpec((g_blk, do), lambda i: (i, 0)),
        out_shape=jax.ShapeDtypeStruct((m, do), jnp.float32),
        interpret=_IP,
    )(h2, mcol, sc2, sh2)

    return (out, centers, bc, sel)

# --- scband reference (transcript-rebuilt; emitter-appended) ---
"""Pipeline reference for scband-samodule-59339268161536 (READ-ONLY COPY).

The authoritative reference and input builder live on the scoring server;
editing this copy changes nothing except your own understanding.
"""

import jax, jax.numpy as jnp
import numpy as np

RATIO = 0.5
RADIUS = 0.2
K = 64


def fps(pos, num_samples):
    N = pos.shape[0]
    sel = jnp.zeros((num_samples,), dtype=jnp.int32)
    dists = jnp.full((N,), jnp.inf, dtype=pos.dtype)

    def body(i, state):
        dists, sel = state
        last = pos[sel[i - 1]]
        d = jnp.sum((pos - last) ** 2, axis=1)
        dists = jnp.minimum(dists, d)
        sel = sel.at[i].set(jnp.argmax(dists).astype(jnp.int32))
        return (dists, sel)

    dists, sel = jax.lax.fori_loop(1, num_samples, body, (dists, sel))
    return sel


def radius_neighbors(pos, centers, batch, batch_centers, r, k):
    # pairwise squared distances [M, N]
    d2 = jnp.sum((centers[:, None, :] - pos[None, :, :]) ** 2, axis=-1)
    same = batch_centers[:, None] == batch[None, :]
    valid = (d2 <= r * r) & same
    score = jnp.where(valid, -d2, -jnp.inf)
    vals, nbr = jax.lax.top_k(score, k)
    mask = vals > -jnp.inf
    nbr = jnp.where(mask, nbr, 0)
    return nbr, mask


def masked_bn(h, m, gamma, beta, eps=1e-5):
    # BatchNorm1d in training mode over valid edges only (padded edges masked out)
    cnt = jnp.maximum(m.sum(), 1.0)
    mean = (h * m).sum(axis=(0, 1)) / cnt
    var = (((h - mean) * m) ** 2).sum(axis=(0, 1)) / cnt
    return (h - mean) / jnp.sqrt(var + eps) * gamma + beta


def setup_inputs(seed: int = 0):
    key = jax.random.key(seed)
    ks = jax.random.split(key, 8)
    N, dIn, dOut = 10000, 128, 256
    dim = dIn + 3
    x = jax.random.normal(ks[0], (N, dIn), dtype=jnp.float32)
    pos = jax.random.uniform(ks[1], (N, 3), dtype=jnp.float32)
    batch = jnp.zeros((N,), dtype=jnp.int32)
    W1 = jax.random.normal(ks[2], (dim, dim), dtype=jnp.float32) * (1.0 / np.sqrt(dim))
    b1 = jnp.zeros((dim,), dtype=jnp.float32)
    g1 = jnp.ones((dim,), dtype=jnp.float32)
    be1 = jnp.zeros((dim,), dtype=jnp.float32)
    W2 = jax.random.normal(ks[3], (dim, dOut), dtype=jnp.float32) * (1.0 / np.sqrt(dim))
    b2 = jnp.zeros((dOut,), dtype=jnp.float32)
    g2 = jnp.ones((dOut,), dtype=jnp.float32)
    be2 = jnp.zeros((dOut,), dtype=jnp.float32)
    return {"x": x, "pos": pos, "batch": batch, "W1": W1, "b1": b1, "g1": g1,
            "be1": be1, "W2": W2, "b2": b2, "g2": g2, "be2": be2}


def reference(x, pos, batch, W1, b1, g1, be1, W2, b2, g2, be2):
    N = pos.shape[0]
    M = int(N * RATIO)
    idx = fps(pos, M)
    centers = pos[idx]
    bc = batch[idx]
    nbr, mask = radius_neighbors(pos, centers, batch, bc, RADIUS, K)
    # PointConv message: MLP([x_j, pos_j - pos_i]) then max aggregation
    x_j = x[nbr]                                   # [M, K, dIn]
    rel = pos[nbr] - centers[:, None, :]           # [M, K, 3]
    h = jnp.concatenate([x_j, rel], axis=-1)       # [M, K, dIn+3]
    m = mask[..., None].astype(h.dtype)
    h = jnp.maximum(h @ W1 + b1, 0.0)
    h = masked_bn(h, m, g1, be1)
    h = jnp.maximum(h @ W2 + b2, 0.0)
    h = masked_bn(h, m, g2, be2)
    h = jnp.where(mask[..., None], h, -jnp.inf)
    out = jnp.max(h, axis=1)                       # [M, dOut]
    return (out, centers, bc, idx)

if __name__ == "__main__":
    import jax
    _d = setup_inputs()
    print(jax.jit(kernel)(*tuple(_d.values())))

</pallas_src>

<mosaic_0001>
#map = affine_map<(d0, d1) -> (0, 0)>
#map1 = affine_map<(d0, d1) -> (0)>
module attributes {stable_mosaic.version = 14 : i64} {
  func.func @gk(%arg0: i32, %arg1: i32, %arg2: memref<10000x256xf32, #tpu.memory_space<hbm>>, %arg3: memref<320000xi32, #tpu.memory_space<hbm>>, %arg4: memref<320000x256xf32, #tpu.memory_space<hbm>>, %arg5: memref<128xi32, #tpu.memory_space<vmem>>, %arg6: memref<128x256xf32, #tpu.memory_space<vmem>>, %arg7: memref<!tpu.dma_semaphore, #tpu.memory_space<semaphore_mem>>) attributes {dimension_semantics = [#tpu.dimension_semantics<core_parallel>, #tpu.dimension_semantics<subcore_parallel>], iteration_bounds = array<i64: 2, 16>, scalar_prefetch = 0 : i64, scratch_operands = 3 : i64, tpu.core_type = #tpu.core_type<sc_vector_subcore>, window_params = [{transform_indices = #map}, {transform_indices = #map1}, {transform_indices = #map}]} {
    %mul3A = arith.constant 2 : i32
    %mul3A_0 = arith.muli %arg1, %mul3A : i32
    %add3A = arith.addi %mul3A_0, %arg0 : i32
    %sub3A = arith.constant 2500 : i32
    %sub3A_1 = arith.subi %sub3A, %add3A : i32
    %add3A_2 = arith.constant 32 : i32
    %add3A_3 = arith.addi %sub3A_1, %add3A_2 : i32
    %sub3A_4 = arith.constant 1 : i32
    %sub3A_5 = arith.subi %add3A_3, %sub3A_4 : i32
    %jit3A = arith.constant 32 : i32
    %div3A = arith.divsi %sub3A_5, %jit3A : i32
    %sign3A = arith.constant 0 : i32
    %sign3A_6 = arith.cmpi sgt, %sub3A_5, %sign3A : i32
    %sign3A_7 = arith.extui %sign3A_6 : i1 to i32
    %sign3A_8 = arith.constant 0 : i32
    %sign3A_9 = arith.cmpi slt, %sub3A_5, %sign3A_8 : i32
    %sign3A_10 = arith.extui %sign3A_9 : i1 to i32
    %sign3A_11 = arith.subi %sign3A_7, %sign3A_10 : i32
    %sign3A_12 = arith.constant 0 : i32
    %sign3A_13 = arith.cmpi sgt, %jit3A, %sign3A_12 : i32
    %sign3A_14 = arith.extui %sign3A_13 : i1 to i32
    %sign3A_15 = arith.constant 0 : i32
    %sign3A_16 = arith.cmpi slt, %jit3A, %sign3A_15 : i32
    %sign3A_17 = arith.extui %sign3A_16 : i1 to i32
    %sign3A_18 = arith.subi %sign3A_14, %sign3A_17 : i32
    %ne3A = arith.cmpi ne, %sign3A_11, %sign3A_18 : i32
    %rem3A = arith.remsi %sub3A_5, %jit3A : i32
    %ne3A_19 = arith.constant 0 : i32
    %ne3A_20 = arith.cmpi ne, %rem3A, %ne3A_19 : i32
    %and3A = arith.andi %ne3A, %ne3A_20 : i1
    %sub3A_21 = arith.constant 1 : i32
    %sub3A_22 = arith.subi %div3A, %sub3A_21 : i32
    %select_n3A = arith.select %and3A, %sub3A_22, %div3A : i32
    %while3A = arith.constant 0 : i32
    %while3A_23 = arith.constant 0 : i32
    %while3A_24 = arith.subi %select_n3A, %while3A : i32
    %while3A_25 = arith.addi %while3A, %while3A_24 : i32
    %while3A_26 = arith.constant 1 : i32
    %while3A_27 = arith.divsi %while3A_24, %while3A_26 : i32
    %while3A_28 = arith.muli %while3A_27, %while3A_26 : i32
    %while3A_29 = arith.addi %while3A, %while3A_28 : i32
    %while3A_30 = arith.constant 1 : i32
    %while3A_31 = scf.for %while3A_34 = %while3A to %while3A_29 step %while3A_30 iter_args(%while3A_35 = %while3A_23) -> (i32)  : i32 {
      %mul3A_36 = arith.constant 32 : i32
      %mul3A_37 = arith.muli %while3A_34, %mul3A_36 : i32
      %add3A_38 = arith.addi %add3A, %mul3A_37 : i32
      %mul3A_39 = arith.constant 128 : i32
      %mul3A_40 = arith.muli %add3A_38, %mul3A_39 : i32
      "tpu.region"() ({
        %run_scoped3A = tpu.sem_alloc : memref<!tpu.dma_semaphore, #tpu.memory_space<semaphore_mem>>
        %dma_start3A_46 = tpu.memref_slice %arg3[%mul3A_40] : memref<320000xi32, #tpu.memory_space<hbm>> -> memref<128xi32, #tpu.memory_space<hbm>>
        %dma_start3A_47 = tpu.memref_slice %arg3[%mul3A_40] : memref<320000xi32, #tpu.memory_space<hbm>> -> memref<128xi32, #tpu.memory_space<hbm>>
        tpu.enqueue_dma source(%dma_start3A_47 : memref<128xi32, #tpu.memory_space<hbm>>) target(%arg5 : memref<128xi32, #tpu.memory_space<vmem>>) target_semaphore(%run_scoped3A : memref<!tpu.dma_semaphore, #tpu.memory_space<semaphore_mem>>)
        %dma_wait3A_48 = tpu.memref_slice %arg3[%mul3A_40] : memref<320000xi32, #tpu.memory_space<hbm>> -> memref<128xi32, #tpu.memory_space<hbm>>
        %dma_wait3A_49 = tpu.memref_slice %arg3[%mul3A_40] : memref<320000xi32, #tpu.memory_space<hbm>> -> memref<128xi32, #tpu.memory_space<hbm>>
        tpu.wait_dma2 semaphore(%run_scoped3A : memref<!tpu.dma_semaphore, #tpu.memory_space<semaphore_mem>>) src(%dma_wait3A_49 : memref<128xi32, #tpu.memory_space<hbm>>) dst(%arg5 : memref<128xi32, #tpu.memory_space<vmem>>)
        tpu.yield
      }) : () -> ()
      %dma_start3A = arith.constant 0 : i32
      %dma_start3A_41 = arith.constant 0 : i32
      %dma_start3A_42 = tpu.memref_slice %arg2[%dma_start3A, %dma_start3A_41] : memref<10000x256xf32, #tpu.memory_space<hbm>> -> memref<10000x256xf32, #tpu.memory_space<hbm>>
      tpu.enqueue_indirect_dma source(%dma_start3A_42 : memref<10000x256xf32, #tpu.memory_space<hbm>>) target(%arg6 : memref<128x256xf32, #tpu.memory_space<vmem>>) offsets(%arg5 : memref<128xi32, #tpu.memory_space<vmem>>) semaphore(%arg7 : memref<!tpu.dma_semaphore, #tpu.memory_space<semaphore_mem>>)
      %dma_wait3A = arith.constant 0 : i32
      %dma_wait3A_43 = arith.constant 0 : i32
      %dma_wait3A_44 = tpu.memref_slice %arg2[%dma_wait3A, %dma_wait3A_43] : memref<10000x256xf32, #tpu.memory_space<hbm>> -> memref<10000x256xf32, #tpu.memory_space<hbm>>
      tpu.wait_indirect_dma semaphore(%arg7 : memref<!tpu.dma_semaphore, #tpu.memory_space<semaphore_mem>>) src(%dma_wait3A_44 : memref<10000x256xf32, #tpu.memory_space<hbm>>) dst(%arg6 : memref<128x256xf32, #tpu.memory_space<vmem>>)
      "tpu.region"() ({
        %run_scoped3A = tpu.sem_alloc : memref<!tpu.dma_semaphore, #tpu.memory_space<semaphore_mem>>
        %dma_start3A_46 = arith.constant 0 : i32
        %dma_start3A_47 = tpu.memref_slice %arg4[%mul3A_40, %dma_start3A_46] : memref<320000x256xf32, #tpu.memory_space<hbm>> -> memref<128x256xf32, #tpu.memory_space<hbm>>
        %dma_start3A_48 = arith.constant 0 : i32
        %dma_start3A_49 = tpu.memref_slice %arg4[%mul3A_40, %dma_start3A_48] : memref<320000x256xf32, #tpu.memory_space<hbm>> -> memref<128x256xf32, #tpu.memory_space<hbm>>
        tpu.enqueue_dma source(%arg6 : memref<128x256xf32, #tpu.memory_space<vmem>>) target(%dma_start3A_49 : memref<128x256xf32, #tpu.memory_space<hbm>>) target_semaphore(%run_scoped3A : memref<!tpu.dma_semaphore, #tpu.memory_space<semaphore_mem>>)
        %dma_wait3A_50 = arith.constant 0 : i32
        %dma_wait3A_51 = tpu.memref_slice %arg4[%mul3A_40, %dma_wait3A_50] : memref<320000x256xf32, #tpu.memory_space<hbm>> -> memref<128x256xf32, #tpu.memory_space<hbm>>
        %dma_wait3A_52 = arith.constant 0 : i32
        %dma_wait3A_53 = tpu.memref_slice %arg4[%mul3A_40, %dma_wait3A_52] : memref<320000x256xf32, #tpu.memory_space<hbm>> -> memref<128x256xf32, #tpu.memory_space<hbm>>
        tpu.wait_dma2 semaphore(%run_scoped3A : memref<!tpu.dma_semaphore, #tpu.memory_space<semaphore_mem>>) src(%arg6 : memref<128x256xf32, #tpu.memory_space<vmem>>) dst(%dma_wait3A_53 : memref<128x256xf32, #tpu.memory_space<hbm>>)
        tpu.yield
      }) : () -> ()
      %while3A_45 = arith.constant 0 : i32
      scf.yield %while3A_45 : i32
    }
    %while3A_32 = arith.constant 1 : i32
    %while3A_33 = scf.for %while3A_34 = %while3A_29 to %while3A_25 step %while3A_32 iter_args(%while3A_35 = %while3A_31) -> (i32)  : i32 {
      %mul3A_36 = arith.constant 32 : i32
      %mul3A_37 = arith.muli %while3A_34, %mul3A_36 : i32
      %add3A_38 = arith.addi %add3A, %mul3A_37 : i32
      %mul3A_39 = arith.constant 128 : i32
      %mul3A_40 = arith.muli %add3A_38, %mul3A_39 : i32
      "tpu.region"() ({
        %run_scoped3A = tpu.sem_alloc : memref<!tpu.dma_semaphore, #tpu.memory_space<semaphore_mem>>
        %dma_start3A_46 = tpu.memref_slice %arg3[%mul3A_40] : memref<320000xi32, #tpu.memory_space<hbm>> -> memref<128xi32, #tpu.memory_space<hbm>>
        %dma_start3A_47 = tpu.memref_slice %arg3[%mul3A_40] : memref<320000xi32, #tpu.memory_space<hbm>> -> memref<128xi32, #tpu.memory_space<hbm>>
        tpu.enqueue_dma source(%dma_start3A_47 : memref<128xi32, #tpu.memory_space<hbm>>) target(%arg5 : memref<128xi32, #tpu.memory_space<vmem>>) target_semaphore(%run_scoped3A : memref<!tpu.dma_semaphore, #tpu.memory_space<semaphore_mem>>)
        %dma_wait3A_48 = tpu.memref_slice %arg3[%mul3A_40] : memref<320000xi32, #tpu.memory_space<hbm>> -> memref<128xi32, #tpu.memory_space<hbm>>
        %dma_wait3A_49 = tpu.memref_slice %arg3[%mul3A_40] : memref<320000xi32, #tpu.memory_space<hbm>> -> memref<128xi32, #tpu.memory_space<hbm>>
        tpu.wait_dma2 semaphore(%run_scoped3A : memref<!tpu.dma_semaphore, #tpu.memory_space<semaphore_mem>>) src(%dma_wait3A_49 : memref<128xi32, #tpu.memory_space<hbm>>) dst(%arg5 : memref<128xi32, #tpu.memory_space<vmem>>)
        tpu.yield
      }) : () -> ()
      %dma_start3A = arith.constant 0 : i32
      %dma_start3A_41 = arith.constant 0 : i32
      %dma_start3A_42 = tpu.memref_slice %arg2[%dma_start3A, %dma_start3A_41] : memref<10000x256xf32, #tpu.memory_space<hbm>> -> memref<10000x256xf32, #tpu.memory_space<hbm>>
      tpu.enqueue_indirect_dma source(%dma_start3A_42 : memref<10000x256xf32, #tpu.memory_space<hbm>>) target(%arg6 : memref<128x256xf32, #tpu.memory_space<vmem>>) offsets(%arg5 : memref<128xi32, #tpu.memory_space<vmem>>) semaphore(%arg7 : memref<!tpu.dma_semaphore, #tpu.memory_space<semaphore_mem>>)
      %dma_wait3A = arith.constant 0 : i32
      %dma_wait3A_43 = arith.constant 0 : i32
      %dma_wait3A_44 = tpu.memref_slice %arg2[%dma_wait3A, %dma_wait3A_43] : memref<10000x256xf32, #tpu.memory_space<hbm>> -> memref<10000x256xf32, #tpu.memory_space<hbm>>
      tpu.wait_indirect_dma semaphore(%arg7 : memref<!tpu.dma_semaphore, #tpu.memory_space<semaphore_mem>>) src(%dma_wait3A_44 : memref<10000x256xf32, #tpu.memory_space<hbm>>) dst(%arg6 : memref<128x256xf32, #tpu.memory_space<vmem>>)
      "tpu.region"() ({
        %run_scoped3A = tpu.sem_alloc : memref<!tpu.dma_semaphore, #tpu.memory_space<semaphore_mem>>
        %dma_start3A_46 = arith.constant 0 : i32
        %dma_start3A_47 = tpu.memref_slice %arg4[%mul3A_40, %dma_start3A_46] : memref<320000x256xf32, #tpu.memory_space<hbm>> -> memref<128x256xf32, #tpu.memory_space<hbm>>
        %dma_start3A_48 = arith.constant 0 : i32
        %dma_start3A_49 = tpu.memref_slice %arg4[%mul3A_40, %dma_start3A_48] : memref<320000x256xf32, #tpu.memory_space<hbm>> -> memref<128x256xf32, #tpu.memory_space<hbm>>
        tpu.enqueue_dma source(%arg6 : memref<128x256xf32, #tpu.memory_space<vmem>>) target(%dma_start3A_49 : memref<128x256xf32, #tpu.memory_space<hbm>>) target_semaphore(%run_scoped3A : memref<!tpu.dma_semaphore, #tpu.memory_space<semaphore_mem>>)
        %dma_wait3A_50 = arith.constant 0 : i32
        %dma_wait3A_51 = tpu.memref_slice %arg4[%mul3A_40, %dma_wait3A_50] : memref<320000x256xf32, #tpu.memory_space<hbm>> -> memref<128x256xf32, #tpu.memory_space<hbm>>
        %dma_wait3A_52 = arith.constant 0 : i32
        %dma_wait3A_53 = tpu.memref_slice %arg4[%mul3A_40, %dma_wait3A_52] : memref<320000x256xf32, #tpu.memory_space<hbm>> -> memref<128x256xf32, #tpu.memory_space<hbm>>
        tpu.wait_dma2 semaphore(%run_scoped3A : memref<!tpu.dma_semaphore, #tpu.memory_space<semaphore_mem>>) src(%arg6 : memref<128x256xf32, #tpu.memory_space<vmem>>) dst(%dma_wait3A_53 : memref<128x256xf32, #tpu.memory_space<hbm>>)
        tpu.yield
      }) : () -> ()
      %while3A_45 = arith.constant 0 : i32
      scf.yield %while3A_45 : i32
    }
    return
  }
}

module attributes {stable_mosaic.version = 14 : i64} {
  func.func @_fps_body(%arg0: memref<79x128xf32, #tpu.memory_space<vmem>>, %arg1: memref<79x128xf32, #tpu.memory_space<vmem>>, %arg2: memref<79x128xf32, #tpu.memory_space<vmem>>, %arg3: memref<79x128xf32, #tpu.memory_space<vmem>>, %arg4: memref<10x512xi32, #tpu.memory_space<vmem>>, %arg5: memref<10x512xf32, #tpu.memory_space<vmem>>, %arg6: memref<10x512xf32, #tpu.memory_space<vmem>>, %arg7: memref<10x512xf32, #tpu.memory_space<vmem>>, %arg8: memref<10x512xf32, #tpu.memory_space<vmem>>) attributes {dimension_semantics = [], scalar_prefetch = 0 : i64, scratch_operands = 0 : i64, tpu.core_type = #tpu.core_type<tc>} {
    %iota3A = tpu.iota {dimensions = array<i32: 0>} : vector<79x128xi32>
    %mul3A = arith.constant 128 : i32
    %mul3A_0 = vector.broadcast %mul3A : i32 to vector<79x128xi32>
    %mul3A_1 = arith.muli %iota3A, %mul3A_0 : vector<79x128xi32>
    %iota3A_2 = tpu.iota {dimensions = array<i32: 1>} : vector<79x128xi32>
    %add3A = arith.addi %mul3A_1, %iota3A_2 : vector<79x128xi32>
    %iota3A_3 = tpu.iota {dimensions = array<i32: 0>} : vector<10x512xi32>
    %mul3A_4 = arith.constant 512 : i32
    %mul3A_5 = vector.broadcast %mul3A_4 : i32 to vector<10x512xi32>
    %mul3A_6 = arith.muli %iota3A_3, %mul3A_5 : vector<10x512xi32>
    %iota3A_7 = tpu.iota {dimensions = array<i32: 1>} : vector<10x512xi32>
    %add3A_8 = arith.addi %mul3A_6, %iota3A_7 : vector<10x512xi32>
    %lt3A = arith.constant 10000 : i32
    %lt3A_9 = vector.broadcast %lt3A : i32 to vector<79x128xi32>
    %lt3A_10 = arith.cmpi slt, %add3A, %lt3A_9 : vector<79x128xi32>
    %get3A = arith.constant 0 : index
    %get3A_11 = arith.constant 0 : index
    %get3A_12 = vector.load %arg0[%get3A, %get3A_11] : memref<79x128xf32, #tpu.memory_space<vmem>>, vector<79x128xf32>
    %get3A_13 = arith.constant 0 : index
    %get3A_14 = arith.constant 0 : index
    %get3A_15 = vector.load %arg1[%get3A_13, %get3A_14] : memref<79x128xf32, #tpu.memory_space<vmem>>, vector<79x128xf32>
    %get3A_16 = arith.constant 0 : index
    %get3A_17 = arith.constant 0 : index
    %get3A_18 = vector.load %arg2[%get3A_16, %get3A_17] : memref<79x128xf32, #tpu.memory_space<vmem>>, vector<79x128xf32>
    %get3A_19 = arith.constant 0 : index
    %get3A_20 = arith.constant 0 : index
    %get3A_21 = vector.load %arg3[%get3A_19, %get3A_20] : memref<79x128xf32, #tpu.memory_space<vmem>>, vector<79x128xf32>
    %eq3A = arith.constant 0 : i32
    %eq3A_22 = vector.broadcast %eq3A : i32 to vector<79x128xi32>
    %eq3A_23 = arith.cmpi eq, %add3A, %eq3A_22 : vector<79x128xi32>
    %jit3A = arith.constant 0.000000e+00 : f32
    %broadcast_in_dim3A = vector.broadcast %jit3A : f32 to vector<79x128xf32>
    %select_n3A = arith.select %eq3A_23, %get3A_12, %broadcast_in_dim3A : vector<79x128xi1>, vector<79x128xf32>
    %reduce_sum3A = vector.shape_cast %select_n3A : vector<79x128xf32> to vector<1x79x128xf32>
    %reduce_sum3A_24 = arith.constant dense<0.000000e+00> : vector<1xf32>
    %reduce_sum3A_25 = vector.multi_reduction <add>, %reduce_sum3A, %reduce_sum3A_24 [1, 2] : vector<1x79x128xf32> to vector<1xf32>
    %reduce_sum3A_26 = vector.shape_cast %reduce_sum3A_25 : vector<1xf32> to vector<1x1x1xf32>
    %reduce_sum3A_27 = vector.extract %reduce_sum3A_26[0, 0, 0] : f32 from vector<1x1x1xf32>
    %jit3A_28 = arith.constant 0.000000e+00 : f32
    %broadcast_in_dim3A_29 = vector.broadcast %jit3A_28 : f32 to vector<79x128xf32>
    %select_n3A_30 = arith.select %eq3A_23, %get3A_15, %broadcast_in_dim3A_29 : vector<79x128xi1>, vector<79x128xf32>
    %reduce_sum3A_31 = vector.shape_cast %select_n3A_30 : vector<79x128xf32> to vector<1x79x128xf32>
    %reduce_sum3A_32 = arith.constant dense<0.000000e+00> : vector<1xf32>
    %reduce_sum3A_33 = vector.multi_reduction <add>, %reduce_sum3A_31, %reduce_sum3A_32 [1, 2] : vector<1x79x128xf32> to vector<1xf32>
    %reduce_sum3A_34 = vector.shape_cast %reduce_sum3A_33 : vector<1xf32> to vector<1x1x1xf32>
    %reduce_sum3A_35 = vector.extract %reduce_sum3A_34[0, 0, 0] : f32 from vector<1x1x1xf32>
    %jit3A_36 = arith.constant 0.000000e+00 : f32
    %broadcast_in_dim3A_37 = vector.broadcast %jit3A_36 : f32 to vector<79x128xf32>
    %select_n3A_38 = arith.select %eq3A_23, %get3A_18, %broadcast_in_dim3A_37 : vector<79x128xi1>, vector<79x128xf32>
    %reduce_sum3A_39 = vector.shape_cast %select_n3A_38 : vector<79x128xf32> to vector<1x79x128xf32>
    %reduce_sum3A_40 = arith.constant dense<0.000000e+00> : vector<1xf32>
    %reduce_sum3A_41 = vector.multi_reduction <add>, %reduce_sum3A_39, %reduce_sum3A_40 [1, 2] : vector<1x79x128xf32> to vector<1xf32>
    %reduce_sum3A_42 = vector.shape_cast %reduce_sum3A_41 : vector<1xf32> to vector<1x1x1xf32>
    %reduce_sum3A_43 = vector.extract %reduce_sum3A_42[0, 0, 0] : f32 from vector<1x1x1xf32>
    %jit3A_44 = arith.constant 0.000000e+00 : f32
    %broadcast_in_dim3A_45 = vector.broadcast %jit3A_44 : f32 to vector<79x128xf32>
    %select_n3A_46 = arith.select %eq3A_23, %get3A_21, %broadcast_in_dim3A_45 : vector<79x128xi1>, vector<79x128xf32>
    %reduce_sum3A_47 = vector.shape_cast %select_n3A_46 : vector<79x128xf32> to vector<1x79x128xf32>
    %reduce_sum3A_48 = arith.constant dense<0.000000e+00> : vector<1xf32>
    %reduce_sum3A_49 = vector.multi_reduction <add>, %reduce_sum3A_47, %reduce_sum3A_48 [1, 2] : vector<1x79x128xf32> to vector<1xf32>
    %reduce_sum3A_50 = vector.shape_cast %reduce_sum3A_49 : vector<1xf32> to vector<1x1x1xf32>
    %reduce_sum3A_51 = vector.extract %reduce_sum3A_50[0, 0, 0] : f32 from vector<1x1x1xf32>
    %jit3A_52 = arith.constant 0x7F800000 : f32
    %jit3A_53 = arith.constant 0xFF800000 : f32
    %broadcast_in_dim3A_54 = vector.broadcast %jit3A_52 : f32 to vector<79x128xf32>
    %broadcast_in_dim3A_55 = vector.broadcast %jit3A_53 : f32 to vector<79x128xf32>
    %select_n3A_56 = arith.select %lt3A_10, %broadcast_in_dim3A_54, %broadcast_in_dim3A_55 : vector<79x128xi1>, vector<79x128xf32>
    %eq3A_57 = arith.constant 0 : i32
    %eq3A_58 = vector.broadcast %eq3A_57 : i32 to vector<10x512xi32>
    %eq3A_59 = arith.cmpi eq, %add3A_8, %eq3A_58 : vector<10x512xi32>
    %broadcast_in_dim3A_60 = arith.constant 0 : i32
    %broadcast_in_dim3A_61 = vector.broadcast %broadcast_in_dim3A_60 : i32 to vector<10x512xi32>
    %jit3A_62 = arith.constant 0.000000e+00 : f32
    %broadcast_in_dim3A_63 = vector.broadcast %reduce_sum3A_27 : f32 to vector<10x512xf32>
    %broadcast_in_dim3A_64 = vector.broadcast %jit3A_62 : f32 to vector<10x512xf32>
    %select_n3A_65 = arith.select %eq3A_59, %broadcast_in_dim3A_63, %broadcast_in_dim3A_64 : vector<10x512xi1>, vector<10x512xf32>
    %jit3A_66 = arith.constant 0.000000e+00 : f32
    %broadcast_in_dim3A_67 = vector.broadcast %reduce_sum3A_35 : f32 to vector<10x512xf32>
    %broadcast_in_dim3A_68 = vector.broadcast %jit3A_66 : f32 to vector<10x512xf32>
    %select_n3A_69 = arith.select %eq3A_59, %broadcast_in_dim3A_67, %broadcast_in_dim3A_68 : vector<10x512xi1>, vector<10x512xf32>
    %jit3A_70 = arith.constant 0.000000e+00 : f32
    %broadcast_in_dim3A_71 = vector.broadcast %reduce_sum3A_43 : f32 to vector<10x512xf32>
    %broadcast_in_dim3A_72 = vector.broadcast %jit3A_70 : f32 to vector<10x512xf32>
    %select_n3A_73 = arith.select %eq3A_59, %broadcast_in_dim3A_71, %broadcast_in_dim3A_72 : vector<10x512xi1>, vector<10x512xf32>
    %jit3A_74 = arith.constant 0.000000e+00 : f32
    %broadcast_in_dim3A_75 = vector.broadcast %reduce_sum3A_51 : f32 to vector<10x512xf32>
    %broadcast_in_dim3A_76 = vector.broadcast %jit3A_74 : f32 to vector<10x512xf32>
    %select_n3A_77 = arith.select %eq3A_59, %broadcast_in_dim3A_75, %broadcast_in_dim3A_76 : vector<10x512xi1>, vector<10x512xf32>
    %scan3A = arith.constant 1 : i32
    %scan3A_78 = arith.constant 4999 : i32
    %scan3A_79 = arith.addi %scan3A, %scan3A_78 : i32
    %scan3A_80 = arith.constant 1 : i32
    %scan3A_81:9 = scf.for %scan3A_97 = %scan3A to %scan3A_79 step %scan3A_80 iter_args(%scan3A_98 = %select_n3A_56, %scan3A_99 = %broadcast_in_dim3A_61, %scan3A_100 = %select_n3A_65, %scan3A_101 = %select_n3A_69, %scan3A_102 = %select_n3A_73, %scan3A_103 = %select_n3A_77, %scan3A_104 = %reduce_sum3A_27, %scan3A_105 = %reduce_sum3A_35, %scan3A_106 = %reduce_sum3A_43) -> (vector<79x128xf32>, vector<10x512xi32>, vector<10x512xf32>, vector<10x512xf32>, vector<10x512xf32>, vector<10x512xf32>, f32, f32, f32)  : i32 {
      %sub3A = vector.broadcast %scan3A_104 : f32 to vector<79x128xf32>
      %sub3A_107 = arith.subf %get3A_12, %sub3A : vector<79x128xf32>
      %sub3A_108 = vector.broadcast %scan3A_105 : f32 to vector<79x128xf32>
      %sub3A_109 = arith.subf %get3A_15, %sub3A_108 : vector<79x128xf32>
      %sub3A_110 = vector.broadcast %scan3A_106 : f32 to vector<79x128xf32>
      %sub3A_111 = arith.subf %get3A_18, %sub3A_110 : vector<79x128xf32>
      %mul3A_112 = arith.mulf %sub3A_107, %sub3A_107 : vector<79x128xf32>
      %mul3A_113 = arith.mulf %sub3A_109, %sub3A_109 : vector<79x128xf32>
      %add3A_114 = arith.addf %mul3A_112, %mul3A_113 : vector<79x128xf32>
      %mul3A_115 = arith.mulf %sub3A_111, %sub3A_111 : vector<79x128xf32>
      %add3A_116 = arith.addf %add3A_114, %mul3A_115 : vector<79x128xf32>
      %min3A = arith.minimumf %scan3A_98, %add3A_116 : vector<79x128xf32>
      %reduce_max3A = vector.shape_cast %min3A : vector<79x128xf32> to vector<1x79x128xf32>
      %reduce_max3A_117 = arith.constant dense<0xFF800000> : vector<1xf32>
      %reduce_max3A_118 = vector.multi_reduction <maximumf>, %reduce_max3A, %reduce_max3A_117 [1, 2] : vector<1x79x128xf32> to vector<1xf32>
      %reduce_max3A_119 = vector.shape_cast %reduce_max3A_118 : vector<1xf32> to vector<1x1x1xf32>
      %reduce_max3A_120 = vector.extract %reduce_max3A_119[0, 0, 0] : f32 from vector<1x1x1xf32>
      %eq3A_121 = vector.broadcast %reduce_max3A_120 : f32 to vector<79x128xf32>
      %eq3A_122 = arith.cmpf oeq, %min3A, %eq3A_121 : vector<79x128xf32>
      %jit3A_123 = arith.constant 1073741824 : i32
      %broadcast_in_dim3A_124 = vector.broadcast %jit3A_123 : i32 to vector<79x128xi32>
      %select_n3A_125 = arith.select %eq3A_122, %add3A, %broadcast_in_dim3A_124 : vector<79x128xi1>, vector<79x128xi32>
      %reduce_min3A = vector.shape_cast %select_n3A_125 : vector<79x128xi32> to vector<1x79x128xi32>
      %reduce_min3A_126 = arith.constant dense<2147483647> : vector<1xi32>
      %reduce_min3A_127 = vector.multi_reduction <minsi>, %reduce_min3A, %reduce_min3A_126 [1, 2] : vector<1x79x128xi32> to vector<1xi32>
      %reduce_min3A_128 = vector.shape_cast %reduce_min3A_127 : vector<1xi32> to vector<1x1x1xi32>
      %reduce_min3A_129 = vector.extract %reduce_min3A_128[0, 0, 0] : i32 from vector<1x1x1xi32>
      %eq3A_130 = vector.broadcast %reduce_min3A_129 : i32 to vector<79x128xi32>
      %eq3A_131 = arith.cmpi eq, %add3A, %eq3A_130 : vector<79x128xi32>
      %jit3A_132 = arith.constant 0.000000e+00 : f32
      %broadcast_in_dim3A_133 = vector.broadcast %jit3A_132 : f32 to vector<79x128xf32>
      %select_n3A_134 = arith.select %eq3A_131, %get3A_12, %broadcast_in_dim3A_133 : vector<79x128xi1>, vector<79x128xf32>
      %reduce_sum3A_135 = vector.shape_cast %select_n3A_134 : vector<79x128xf32> to vector<1x79x128xf32>
      %reduce_sum3A_136 = arith.constant dense<0.000000e+00> : vector<1xf32>
      %reduce_sum3A_137 = vector.multi_reduction <add>, %reduce_sum3A_135, %reduce_sum3A_136 [1, 2] : vector<1x79x128xf32> to vector<1xf32>
      %reduce_sum3A_138 = vector.shape_cast %reduce_sum3A_137 : vector<1xf32> to vector<1x1x1xf32>
      %reduce_sum3A_139 = vector.extract %reduce_sum3A_138[0, 0, 0] : f32 from vector<1x1x1xf32>
      %jit3A_140 = arith.constant 0.000000e+00 : f32
      %broadcast_in_dim3A_141 = vector.broadcast %jit3A_140 : f32 to vector<79x128xf32>
      %select_n3A_142 = arith.select %eq3A_131, %get3A_15, %broadcast_in_dim3A_141 : vector<79x128xi1>, vector<79x128xf32>
      %reduce_sum3A_143 = vector.shape_cast %select_n3A_142 : vector<79x128xf32> to vector<1x79x128xf32>
      %reduce_sum3A_144 = arith.constant dense<0.000000e+00> : vector<1xf32>
      %reduce_sum3A_145 = vector.multi_reduction <add>, %reduce_sum3A_143, %reduce_sum3A_144 [1, 2] : vector<1x79x128xf32> to vector<1xf32>
      %reduce_sum3A_146 = vector.shape_cast %reduce_sum3A_145 : vector<1xf32> to vector<1x1x1xf32>
      %reduce_sum3A_147 = vector.extract %reduce_sum3A_146[0, 0, 0] : f32 from vector<1x1x1xf32>
      %jit3A_148 = arith.constant 0.000000e+00 : f32
      %broadcast_in_dim3A_149 = vector.broadcast %jit3A_148 : f32 to vector<79x128xf32>
      %select_n3A_150 = arith.select %eq3A_131, %get3A_18, %broadcast_in_dim3A_149 : vector<79x128xi1>, vector<79x128xf32>
      %reduce_sum3A_151 = vector.shape_cast %select_n3A_150 : vector<79x128xf32> to vector<1x79x128xf32>
      %reduce_sum3A_152 = arith.constant dense<0.000000e+00> : vector<1xf32>
      %reduce_sum3A_153 = vector.multi_reduction <add>, %reduce_sum3A_151, %reduce_sum3A_152 [1, 2] : vector<1x79x128xf32> to vector<1xf32>
      %reduce_sum3A_154 = vector.shape_cast %reduce_sum3A_153 : vector<1xf32> to vector<1x1x1xf32>
      %reduce_sum3A_155 = vector.extract %reduce_sum3A_154[0, 0, 0] : f32 from vector<1x1x1xf32>
      %jit3A_156 = arith.constant 0.000000e+00 : f32
      %broadcast_in_dim3A_157 = vector.broadcast %jit3A_156 : f32 to vector<79x128xf32>
      %select_n3A_158 = arith.select %eq3A_131, %get3A_21, %broadcast_in_dim3A_157 : vector<79x128xi1>, vector<79x128xf32>
      %reduce_sum3A_159 = vector.shape_cast %select_n3A_158 : vector<79x128xf32> to vector<1x79x128xf32>
      %reduce_sum3A_160 = arith.constant dense<0.000000e+00> : vector<1xf32>
      %reduce_sum3A_161 = vector.multi_reduction <add>, %reduce_sum3A_159, %reduce_sum3A_160 [1, 2] : vector<1x79x128xf32> to vector<1xf32>
      %reduce_sum3A_162 = vector.shape_cast %reduce_sum3A_161 : vector<1xf32> to vector<1x1x1xf32>
      %reduce_sum3A_163 = vector.extract %reduce_sum3A_162[0, 0, 0] : f32 from vector<1x1x1xf32>
      %eq3A_164 = vector.broadcast %scan3A_97 : i32 to vector<10x512xi32>
      %eq3A_165 = arith.cmpi eq, %add3A_8, %eq3A_164 : vector<10x512xi32>
      %broadcast_in_dim3A_166 = vector.broadcast %reduce_min3A_129 : i32 to vector<10x512xi32>
      %select_n3A_167 = arith.select %eq3A_165, %broadcast_in_dim3A_166, %scan3A_99 : vector<10x512xi1>, vector<10x512xi32>
      %broadcast_in_dim3A_168 = vector.broadcast %reduce_sum3A_139 : f32 to vector<10x512xf32>
      %select_n3A_169 = arith.select %eq3A_165, %broadcast_in_dim3A_168, %scan3A_100 : vector<10x512xi1>, vector<10x512xf32>
      %broadcast_in_dim3A_170 = vector.broadcast %reduce_sum3A_147 : f32 to vector<10x512xf32>
      %select_n3A_171 = arith.select %eq3A_165, %broadcast_in_dim3A_170, %scan3A_101 : vector<10x512xi1>, vector<10x512xf32>
      %broadcast_in_dim3A_172 = vector.broadcast %reduce_sum3A_155 : f32 to vector<10x512xf32>
      %select_n3A_173 = arith.select %eq3A_165, %broadcast_in_dim3A_172, %scan3A_102 : vector<10x512xi1>, vector<10x512xf32>
      %broadcast_in_dim3A_174 = vector.broadcast %reduce_sum3A_163 : f32 to vector<10x512xf32>
      %select_n3A_175 = arith.select %eq3A_165, %broadcast_in_dim3A_174, %scan3A_103 : vector<10x512xi1>, vector<10x512xf32>
      scf.yield %min3A, %select_n3A_167, %select_n3A_169, %select_n3A_171, %select_n3A_173, %select_n3A_175, %reduce_sum3A_139, %reduce_sum3A_147, %reduce_sum3A_155 : vector<79x128xf32>, vector<10x512xi32>, vector<10x512xf32>, vector<10x512xf32>, vector<10x512xf32>, vector<10x512xf32>, f32, f32, f32
    }
    %scan3A_82 = arith.constant 4999 : i32
    %swap3A = arith.constant 0 : index
    %swap3A_83 = arith.constant 0 : index
    %swap3A_84 = vector.load %arg4[%swap3A, %swap3A_83] : memref<10x512xi32, #tpu.memory_space<vmem>>, vector<10x512xi32>
    tpu.vector_store %arg4[%swap3A, %swap3A_83], %scan3A_81#1 {strides = array<i32>} : memref<10x512xi32, #tpu.memory_space<vmem>>, vector<10x512xi32>,
    %swap3A_85 = arith.constant 0 : index
    %swap3A_86 = arith.constant 0 : index
    %swap3A_87 = vector.load %arg5[%swap3A_85, %swap3A_86] : memref<10x512xf32, #tpu.memory_space<vmem>>, vector<10x512xf32>
    tpu.vector_store %arg5[%swap3A_85, %swap3A_86], %scan3A_81#2 {strides = array<i32>} : memref<10x512xf32, #tpu.memory_space<vmem>>, vector<10x512xf32>,
    %swap3A_88 = arith.constant 0 : index
    %swap3A_89 = arith.constant 0 : index
    %swap3A_90 = vector.load %arg6[%swap3A_88, %swap3A_89] : memref<10x512xf32, #tpu.memory_space<vmem>>, vector<10x512xf32>
    tpu.vector_store %arg6[%swap3A_88, %swap3A_89], %scan3A_81#3 {strides = array<i32>} : memref<10x512xf32, #tpu.memory_space<vmem>>, vector<10x512xf32>,
    %swap3A_91 = arith.constant 0 : index
    %swap3A_92 = arith.constant 0 : index
    %swap3A_93 = vector.load %arg7[%swap3A_91, %swap3A_92] : memref<10x512xf32, #tpu.memory_space<vmem>>, vector<10x512xf32>
    tpu.vector_store %arg7[%swap3A_91, %swap3A_92], %scan3A_81#4 {strides = array<i32>} : memref<10x512xf32, #tpu.memory_space<vmem>>, vector<10x512xf32>,
    %swap3A_94 = arith.constant 0 : index
    %swap3A_95 = arith.constant 0 : index
    %swap3A_96 = vector.load %arg8[%swap3A_94, %swap3A_95] : memref<10x512xf32, #tpu.memory_space<vmem>>, vector<10x512xf32>
    tpu.vector_store %arg8[%swap3A_94, %swap3A_95], %scan3A_81#5 {strides = array<i32>} : memref<10x512xf32, #tpu.memory_space<vmem>>, vector<10x512xf32>,
    return
  }
}

module attributes {stable_mosaic.version = 14 : i64} {
  func.func @_topk_body(%arg0: i32, %arg1: memref<128x1xf32, #tpu.memory_space<vmem>>, %arg2: memref<128x1xf32, #tpu.memory_space<vmem>>, %arg3: memref<128x1xf32, #tpu.memory_space<vmem>>, %arg4: memref<128x1xi32, #tpu.memory_space<vmem>>, %arg5: memref<1x10112xf32, #tpu.memory_space<vmem>>, %arg6: memref<1x10112xf32, #tpu.memory_space<vmem>>, %arg7: memref<1x10112xf32, #tpu.memory_space<vmem>>, %arg8: memref<1x10112xi32, #tpu.memory_space<vmem>>, %arg9: memref<128x64xi32, #tpu.memory_space<vmem>>, %arg10: memref<128x64xf32, #tpu.memory_space<vmem>>, %arg11: memref<128x10112xf32, #tpu.memory_space<vmem>>) attributes {dimension_semantics = [#tpu.dimension_semantics<arbitrary>], iteration_bounds = array<i64: 40>, scalar_prefetch = 0 : i64, scratch_operands = 1 : i64, tpu.core_type = #tpu.core_type<tc>, window_params = [{transform_indices = @transform_0, window_bounds = array<i64: 128, 1>}, {transform_indices = @transform_1, window_bounds = array<i64: 128, 1>}, {transform_indices = @transform_2, window_bounds = array<i64: 128, 1>}, {transform_indices = @transform_3, window_bounds = array<i64: 128, 1>}, {pipeline_mode = #tpu.pipeline_mode<synchronous>, transform_indices = @transform_4, window_bounds = array<i64: 1, 10112>}, {pipeline_mode = #tpu.pipeline_mode<synchronous>, transform_indices = @transform_5, window_bounds = array<i64: 1, 10112>}, {pipeline_mode = #tpu.pipeline_mode<synchronous>, transform_indices = @transform_6, window_bounds = array<i64: 1, 10112>}, {pipeline_mode = #tpu.pipeline_mode<synchronous>, transform_indices = @transform_7, window_bounds = array<i64: 1, 10112>}, {transform_indices = @transform_8, window_bounds = array<i64: 128, 64>}, {transform_indices = @transform_9, window_bounds = array<i64: 128, 64>}]} {
    %get3A = arith.constant 0 : index
    %get3A_0 = arith.constant 0 : index
    %get3A_1 = vector.load %arg1[%get3A, %get3A_0] : memref<128x1xf32, #tpu.memory_space<vmem>>, vector<128x1xf32>
    %get3A_2 = arith.constant 0 : index
    %get3A_3 = arith.constant 0 : index
    %get3A_4 = vector.load %arg5[%get3A_2, %get3A_3] : memref<1x10112xf32, #tpu.memory_space<vmem>>, vector<1x10112xf32>
    %sub3A = vector.broadcast %get3A_1 : vector<128x1xf32> to vector<128x10112xf32>
    %sub3A_5 = vector.broadcast %get3A_4 : vector<1x10112xf32> to vector<128x10112xf32>
    %sub3A_6 = arith.subf %sub3A, %sub3A_5 : vector<128x10112xf32>
    %get3A_7 = arith.constant 0 : index
    %get3A_8 = arith.constant 0 : index
    %get3A_9 = vector.load %arg2[%get3A_7, %get3A_8] : memref<128x1xf32, #tpu.memory_space<vmem>>, vector<128x1xf32>
    %get3A_10 = arith.constant 0 : index
    %get3A_11 = arith.constant 0 : index
    %get3A_12 = vector.load %arg6[%get3A_10, %get3A_11] : memref<1x10112xf32, #tpu.memory_space<vmem>>, vector<1x10112xf32>
    %sub3A_13 = vector.broadcast %get3A_9 : vector<128x1xf32> to vector<128x10112xf32>
    %sub3A_14 = vector.broadcast %get3A_12 : vector<1x10112xf32> to vector<128x10112xf32>
    %sub3A_15 = arith.subf %sub3A_13, %sub3A_14 : vector<128x10112xf32>
    %get3A_16 = arith.constant 0 : index
    %get3A_17 = arith.constant 0 : index
    %get3A_18 = vector.load %arg3[%get3A_16, %get3A_17] : memref<128x1xf32, #tpu.memory_space<vmem>>, vector<128x1xf32>
    %get3A_19 = arith.constant 0 : index
    %get3A_20 = arith.constant 0 : index
    %get3A_21 = vector.load %arg7[%get3A_19, %get3A_20] : memref<1x10112xf32, #tpu.memory_space<vmem>>, vector<1x10112xf32>
    %sub3A_22 = vector.broadcast %get3A_18 : vector<128x1xf32> to vector<128x10112xf32>
    %sub3A_23 = vector.broadcast %get3A_21 : vector<1x10112xf32> to vector<128x10112xf32>
    %sub3A_24 = arith.subf %sub3A_22, %sub3A_23 : vector<128x10112xf32>
    %mul3A = arith.mulf %sub3A_6, %sub3A_6 : vector<128x10112xf32>
    %mul3A_25 = arith.mulf %sub3A_15, %sub3A_15 : vector<128x10112xf32>
    %add3A = arith.addf %mul3A, %mul3A_25 : vector<128x10112xf32>
    %mul3A_26 = arith.mulf %sub3A_24, %sub3A_24 : vector<128x10112xf32>
    %add3A_27 = arith.addf %add3A, %mul3A_26 : vector<128x10112xf32>
    %iota3A = tpu.iota {dimensions = array<i32: 1>} : vector<128x10112xi32>
    %le3A = arith.constant 4.000000e-02 : f32
    %le3A_28 = vector.broadcast %le3A : f32 to vector<128x10112xf32>
    %le3A_29 = arith.cmpf ole, %add3A_27, %le3A_28 : vector<128x10112xf32>
    %lt3A = arith.constant 10000 : i32
    %lt3A_30 = vector.broadcast %lt3A : i32 to vector<128x10112xi32>
    %lt3A_31 = arith.cmpi slt, %iota3A, %lt3A_30 : vector<128x10112xi32>
    %and3A = arith.andi %le3A_29, %lt3A_31 : vector<128x10112xi1>
    %get3A_32 = arith.constant 0 : index
    %get3A_33 = arith.constant 0 : index
    %get3A_34 = vector.load %arg4[%get3A_32, %get3A_33] : memref<128x1xi32, #tpu.memory_space<vmem>>, vector<128x1xi32>
    %get3A_35 = arith.constant 0 : index
    %get3A_36 = arith.constant 0 : index
    %get3A_37 = vector.load %arg8[%get3A_35, %get3A_36] : memref<1x10112xi32, #tpu.memory_space<vmem>>, vector<1x10112xi32>
    %eq3A = vector.broadcast %get3A_34 : vector<128x1xi32> to vector<128x10112xi32>
    %eq3A_38 = vector.broadcast %get3A_37 : vector<1x10112xi32> to vector<128x10112xi32>
    %eq3A_39 = arith.cmpi eq, %eq3A, %eq3A_38 : vector<128x10112xi32>
    %and3A_40 = arith.andi %and3A, %eq3A_39 : vector<128x10112xi1>
    %jit3A = arith.constant 0x7F800000 : f32
    %broadcast_in_dim3A = vector.broadcast %jit3A : f32 to vector<128x10112xf32>
    %select_n3A = arith.select %and3A_40, %add3A_27, %broadcast_in_dim3A : vector<128x10112xi1>, vector<128x10112xf32>
    %swap3A = arith.constant 0 : index
    %swap3A_41 = arith.constant 0 : index
    %swap3A_42 = vector.load %arg11[%swap3A, %swap3A_41] : memref<128x10112xf32, #tpu.memory_space<vmem>>, vector<128x10112xf32>
    tpu.vector_store %arg11[%swap3A, %swap3A_41], %select_n3A {strides = array<i32>} : memref<128x10112xf32, #tpu.memory_space<vmem>>, vector<128x10112xf32>,
    %iota3A_43 = tpu.iota {dimensions = array<i32: 1>} : vector<128x64xi32>
    %broadcast_in_dim3A_44 = arith.constant 0 : i32
    %broadcast_in_dim3A_45 = vector.broadcast %broadcast_in_dim3A_44 : i32 to vector<128x64xi32>
    %broadcast_in_dim3A_46 = arith.constant 0.000000e+00 : f32
    %broadcast_in_dim3A_47 = vector.broadcast %broadcast_in_dim3A_46 : f32 to vector<128x64xf32>
    %scan3A = arith.constant 0 : i32
    %scan3A_48 = arith.constant 64 : i32
    %scan3A_49 = arith.addi %scan3A, %scan3A_48 : i32
    %scan3A_50 = arith.constant 1 : i32
    %scan3A_51:2 = scf.for %scan3A_59 = %scan3A to %scan3A_49 step %scan3A_50 iter_args(%scan3A_60 = %broadcast_in_dim3A_45, %scan3A_61 = %broadcast_in_dim3A_47) -> (vector<128x64xi32>, vector<128x64xf32>)  : i32 {
      %get3A_62 = arith.constant 0 : index
      %get3A_63 = arith.constant 0 : index
      %get3A_64 = vector.load %arg11[%get3A_62, %get3A_63] : memref<128x10112xf32, #tpu.memory_space<vmem>>, vector<128x10112xf32>
      %reduce_min3A = arith.constant dense<0x7F800000> : vector<128xf32>
      %reduce_min3A_65 = vector.multi_reduction <minimumf>, %get3A_64, %reduce_min3A [1] : vector<128x10112xf32> to vector<128xf32>
      %broadcast_in_dim3A_66 = vector.shape_cast %reduce_min3A_65 : vector<128xf32> to vector<128x1xf32>
      %eq3A_67 = vector.broadcast %broadcast_in_dim3A_66 : vector<128x1xf32> to vector<128x10112xf32>
      %eq3A_68 = arith.cmpf oeq, %get3A_64, %eq3A_67 : vector<128x10112xf32>
      %jit3A_69 = arith.constant 1073741824 : i32
      %broadcast_in_dim3A_70 = vector.broadcast %jit3A_69 : i32 to vector<128x10112xi32>
      %select_n3A_71 = arith.select %eq3A_68, %iota3A, %broadcast_in_dim3A_70 : vector<128x10112xi1>, vector<128x10112xi32>
      %reduce_min3A_72 = arith.constant dense<2147483647> : vector<128xi32>
      %reduce_min3A_73 = vector.multi_reduction <minsi>, %select_n3A_71, %reduce_min3A_72 [1] : vector<128x10112xi32> to vector<128xi32>
      %broadcast_in_dim3A_74 = vector.shape_cast %reduce_min3A_73 : vector<128xi32> to vector<128x1xi32>
      %jit3A_75 = arith.constant 0x7F800000 : f32
      %broadcast_in_dim3A_76 = vector.broadcast %jit3A_75 : f32 to vector<128x10112xf32>
      %select_n3A_77 = arith.select %eq3A_68, %broadcast_in_dim3A_76, %get3A_64 : vector<128x10112xi1>, vector<128x10112xf32>
      %swap3A_78 = arith.constant 0 : index
      %swap3A_79 = arith.constant 0 : index
      %swap3A_80 = vector.load %arg11[%swap3A_78, %swap3A_79] : memref<128x10112xf32, #tpu.memory_space<vmem>>, vector<128x10112xf32>
      tpu.vector_store %arg11[%swap3A_78, %swap3A_79], %select_n3A_77 {strides = array<i32>} : memref<128x10112xf32, #tpu.memory_space<vmem>>, vector<128x10112xf32>,
      %lt3A_81 = arith.constant 0x7F800000 : f32
      %lt3A_82 = vector.broadcast %lt3A_81 : f32 to vector<128x1xf32>
      %lt3A_83 = arith.cmpf olt, %broadcast_in_dim3A_66, %lt3A_82 : vector<128x1xf32>
      %eq3A_84 = vector.broadcast %scan3A_59 : i32 to vector<128x64xi32>
      %eq3A_85 = arith.cmpi eq, %iota3A_43, %eq3A_84 : vector<128x64xi32>
      %jit3A_86 = arith.constant 0 : i32
      %broadcast_in_dim3A_87 = vector.broadcast %jit3A_86 : i32 to vector<128x1xi32>
      %select_n3A_88 = arith.select %lt3A_83, %broadcast_in_dim3A_74, %broadcast_in_dim3A_87 : vector<128x1xi1>, vector<128x1xi32>
      %broadcast_in_dim3A_89 = vector.shape_cast %select_n3A_88 : vector<128x1xi32> to vector<128x1xi32>
      %broadcast_in_dim3A_90 = vector.broadcast %broadcast_in_dim3A_89 : vector<128x1xi32> to vector<128x64xi32>
      %select_n3A_91 = arith.select %eq3A_85, %broadcast_in_dim3A_90, %scan3A_60 : vector<128x64xi1>, vector<128x64xi32>
      %convert_element_type3A = arith.extui %lt3A_83 : vector<128x1xi1> to vector<128x1xi32>
      %convert_element_type3A_92 = arith.sitofp %convert_element_type3A : vector<128x1xi32> to vector<128x1xf32>
      %broadcast_in_dim3A_93 = vector.shape_cast %convert_element_type3A_92 : vector<128x1xf32> to vector<128x1xf32>
      %broadcast_in_dim3A_94 = vector.broadcast %broadcast_in_dim3A_93 : vector<128x1xf32> to vector<128x64xf32>
      %select_n3A_95 = arith.select %eq3A_85, %broadcast_in_dim3A_94, %scan3A_61 : vector<128x64xi1>, vector<128x64xf32>
      scf.yield %select_n3A_91, %select_n3A_95 : vector<128x64xi32>, vector<128x64xf32>
    }
    %scan3A_52 = arith.constant 64 : i32
    %swap3A_53 = arith.constant 0 : index
    %swap3A_54 = arith.constant 0 : index
    %swap3A_55 = vector.load %arg9[%swap3A_53, %swap3A_54] : memref<128x64xi32, #tpu.memory_space<vmem>>, vector<128x64xi32>
    tpu.vector_store %arg9[%swap3A_53, %swap3A_54], %scan3A_51#0 {strides = array<i32>} : memref<128x64xi32, #tpu.memory_space<vmem>>, vector<128x64xi32>,
    %swap3A_56 = arith.constant 0 : index
    %swap3A_57 = arith.constant 0 : index
    %swap3A_58 = vector.load %arg10[%swap3A_56, %swap3A_57] : memref<128x64xf32, #tpu.memory_space<vmem>>, vector<128x64xf32>
    tpu.vector_store %arg10[%swap3A_56, %swap3A_57], %scan3A_51#1 {strides = array<i32>} : memref<128x64xf32, #tpu.memory_space<vmem>>, vector<128x64xf32>,
    return
  }
  func.func @transform_0(%arg0: i32) -> (i32, i32) {
    %c0_i32 = arith.constant 0 : i32
    %c0_i32_0 = arith.constant 0 : i32
    return %arg0, %c0_i32 : i32, i32
  }
  func.func @transform_1(%arg0: i32) -> (i32, i32) {
    %c0_i32 = arith.constant 0 : i32
    %c0_i32_0 = arith.constant 0 : i32
    return %arg0, %c0_i32 : i32, i32
  }
  func.func @transform_2(%arg0: i32) -> (i32, i32) {
    %c0_i32 = arith.constant 0 : i32
    %c0_i32_0 = arith.constant 0 : i32
    return %arg0, %c0_i32 : i32, i32
  }
  func.func @transform_3(%arg0: i32) -> (i32, i32) {
    %c0_i32 = arith.constant 0 : i32
    %c0_i32_0 = arith.constant 0 : i32
    return %arg0, %c0_i32 : i32, i32
  }
  func.func @transform_4(%arg0: i32) -> (i32, i32) {
    %c0_i32 = arith.constant 0 : i32
    %c0_i32_0 = arith.constant 0 : i32
    %c0_i32_1 = arith.constant 0 : i32
    return %c0_i32, %c0_i32_0 : i32, i32
  }
  func.func @transform_5(%arg0: i32) -> (i32, i32) {
    %c0_i32 = arith.constant 0 : i32
    %c0_i32_0 = arith.constant 0 : i32
    %c0_i32_1 = arith.constant 0 : i32
    return %c0_i32, %c0_i32_0 : i32, i32
  }
  func.func @transform_6(%arg0: i32) -> (i32, i32) {
    %c0_i32 = arith.constant 0 : i32
    %c0_i32_0 = arith.constant 0 : i32
    %c0_i32_1 = arith.constant 0 : i32
    return %c0_i32, %c0_i32_0 : i32, i32
  }
  func.func @transform_7(%arg0: i32) -> (i32, i32) {
    %c0_i32 = arith.constant 0 : i32
    %c0_i32_0 = arith.constant 0 : i32
    %c0_i32_1 = arith.constant 0 : i32
    return %c0_i32, %c0_i32_0 : i32, i32
  }
  func.func @transform_8(%arg0: i32) -> (i32, i32) {
    %c0_i32 = arith.constant 0 : i32
    %c0_i32_0 = arith.constant 0 : i32
    return %arg0, %c0_i32 : i32, i32
  }
  func.func @transform_9(%arg0: i32) -> (i32, i32) {
    %c0_i32 = arith.constant 0 : i32
    %c0_i32_0 = arith.constant 0 : i32
    return %arg0, %c0_i32 : i32, i32
  }
}

module attributes {stable_mosaic.version = 14 : i64} {
  func.func @_mlp1_body(%arg0: i32, %arg1: memref<512x256xf32, #tpu.memory_space<vmem>>, %arg2: memref<1x8x256xf32, #tpu.memory_space<vmem>>, %arg3: memref<512x1xf32, #tpu.memory_space<vmem>>, %arg4: memref<256x256xf32, #tpu.memory_space<vmem>>, %arg5: memref<1x256xf32, #tpu.memory_space<vmem>>, %arg6: memref<512x256xf32, #tpu.memory_space<vmem>>, %arg7: memref<1x256xf32, #tpu.memory_space<vmem>>, %arg8: memref<1x256xf32, #tpu.memory_space<vmem>>, %arg9: memref<1x1xf32, #tpu.memory_space<vmem>>) attributes {dimension_semantics = [#tpu.dimension_semantics<arbitrary>], iteration_bounds = array<i64: 625>, scalar_prefetch = 0 : i64, scratch_operands = 0 : i64, tpu.core_type = #tpu.core_type<tc>, window_params = [{transform_indices = @transform_0, window_bounds = array<i64: 512, 256>}, {transform_indices = @transform_1, window_bounds = array<i64: 1, 8, 256>}, {transform_indices = @transform_2, window_bounds = array<i64: 512, 1>}, {pipeline_mode = #tpu.pipeline_mode<synchronous>, transform_indices = @transform_3, window_bounds = array<i64: 256, 256>}, {pipeline_mode = #tpu.pipeline_mode<synchronous>, transform_indices = @transform_4, window_bounds = array<i64: 1, 256>}, {transform_indices = @transform_5, window_bounds = array<i64: 512, 256>}, {pipeline_mode = #tpu.pipeline_mode<synchronous>, transform_indices = @transform_6, window_bounds = array<i64: 1, 256>}, {pipeline_mode = #tpu.pipeline_mode<synchronous>, transform_indices = @transform_7, window_bounds = array<i64: 1, 256>}, {pipeline_mode = #tpu.pipeline_mode<synchronous>, transform_indices = @transform_8, window_bounds = array<i64: 1, 1>}]} {
    %eq3A = arith.constant 0 : i32
    %eq3A_0 = arith.cmpi eq, %arg0, %eq3A : i32
    %convert_element_type3A = arith.extui %eq3A_0 : i1 to i32
    %cond3A = arith.constant 0 : i32
    %cond3A_1 = arith.cmpi ne, %convert_element_type3A, %cond3A : i32
    scf.if %cond3A_1 {
      %broadcast_in_dim3A_60 = arith.constant 0.000000e+00 : f32
      %broadcast_in_dim3A_61 = vector.broadcast %broadcast_in_dim3A_60 : f32 to vector<1x256xf32>
      %swap3A_62 = arith.constant 0 : index
      %swap3A_63 = arith.constant 0 : index
      %swap3A_64 = vector.load %arg7[%swap3A_62, %swap3A_63] : memref<1x256xf32, #tpu.memory_space<vmem>>, vector<1x256xf32>
      tpu.vector_store %arg7[%swap3A_62, %swap3A_63], %broadcast_in_dim3A_61 {strides = array<i32>} : memref<1x256xf32, #tpu.memory_space<vmem>>, vector<1x256xf32>,
      %broadcast_in_dim3A_65 = arith.constant 0.000000e+00 : f32
      %broadcast_in_dim3A_66 = vector.broadcast %broadcast_in_dim3A_65 : f32 to vector<1x256xf32>
      %swap3A_67 = arith.constant 0 : index
      %swap3A_68 = arith.constant 0 : index
      %swap3A_69 = vector.load %arg8[%swap3A_67, %swap3A_68] : memref<1x256xf32, #tpu.memory_space<vmem>>, vector<1x256xf32>
      tpu.vector_store %arg8[%swap3A_67, %swap3A_68], %broadcast_in_dim3A_66 {strides = array<i32>} : memref<1x256xf32, #tpu.memory_space<vmem>>, vector<1x256xf32>,
      %broadcast_in_dim3A_70 = arith.constant 0.000000e+00 : f32
      %broadcast_in_dim3A_71 = vector.broadcast %broadcast_in_dim3A_70 : f32 to vector<1x1xf32>
      %swap3A_72 = arith.constant 0 : index
      %swap3A_73 = arith.constant 0 : index
      %swap3A_74 = vector.load %arg9[%swap3A_72, %swap3A_73] : memref<1x1xf32, #tpu.memory_space<vmem>>, vector<1x1xf32>
      tpu.vector_store %arg9[%swap3A_72, %swap3A_73], %broadcast_in_dim3A_71 {strides = array<i32>} : memref<1x1xf32, #tpu.memory_space<vmem>>, vector<1x1xf32>,
    } else {
    }
    %get3A = arith.constant 0 : index
    %get3A_2 = arith.constant 0 : index
    %get3A_3 = vector.load %arg1[%get3A, %get3A_2] : memref<512x256xf32, #tpu.memory_space<vmem>>, vector<512x256xf32>
    %reshape3A = vector.shape_cast %get3A_3 : vector<512x256xf32> to vector<8x64x256xf32>
    %get3A_4 = arith.constant 0 : index
    %get3A_5 = arith.constant 0 : index
    %get3A_6 = arith.constant 0 : index
    %get3A_7 = vector.load %arg2[%get3A_4, %get3A_5, %get3A_6] : memref<1x8x256xf32, #tpu.memory_space<vmem>>, vector<1x8x256xf32>
    %get3A_8 = vector.shape_cast %get3A_7 : vector<1x8x256xf32> to vector<8x256xf32>
    %broadcast_in_dim3A = vector.shape_cast %get3A_8 : vector<8x256xf32> to vector<8x1x256xf32>
    %sub3A = vector.broadcast %broadcast_in_dim3A : vector<8x1x256xf32> to vector<8x64x256xf32>
    %sub3A_9 = arith.subf %reshape3A, %sub3A : vector<8x64x256xf32>
    %reshape3A_10 = vector.shape_cast %sub3A_9 : vector<8x64x256xf32> to vector<512x256xf32>
    %get3A_11 = arith.constant 0 : index
    %get3A_12 = arith.constant 0 : index
    %get3A_13 = vector.load %arg4[%get3A_11, %get3A_12] : memref<256x256xf32, #tpu.memory_space<vmem>>, vector<256x256xf32>
    %dot_general3A = arith.constant dense<0.000000e+00> : vector<512x256xf32>
    %dot_general3A_14 = tpu.matmul %reshape3A_10, %get3A_13, %dot_general3A {dimension_numbers = #tpu.dot_dimension_numbers<[1], [0], [0], [1], [0, 0, 1, 1], [], []>, transpose_lhs_hint = false} : vector<512x256xf32>, vector<256x256xf32>, vector<512x256xf32> -> vector<512x256xf32>
    %get3A_15 = arith.constant 0 : index
    %get3A_16 = arith.constant 0 : index
    %get3A_17 = vector.load %arg5[%get3A_15, %get3A_16] : memref<1x256xf32, #tpu.memory_space<vmem>>, vector<1x256xf32>
    %add3A = vector.broadcast %get3A_17 : vector<1x256xf32> to vector<512x256xf32>
    %add3A_18 = arith.addf %dot_general3A_14, %add3A : vector<512x256xf32>
    %max3A = arith.constant 0.000000e+00 : f32
    %max3A_19 = vector.broadcast %max3A : f32 to vector<512x256xf32>
    %max3A_20 = arith.maximumf %add3A_18, %max3A_19 : vector<512x256xf32>
    %swap3A = arith.constant 0 : index
    %swap3A_21 = arith.constant 0 : index
    %swap3A_22 = vector.load %arg6[%swap3A, %swap3A_21] : memref<512x256xf32, #tpu.memory_space<vmem>>, vector<512x256xf32>
    tpu.vector_store %arg6[%swap3A, %swap3A_21], %max3A_20 {strides = array<i32>} : memref<512x256xf32, #tpu.memory_space<vmem>>, vector<512x256xf32>,
    %get3A_23 = arith.constant 0 : index
    %get3A_24 = arith.constant 0 : index
    %get3A_25 = vector.load %arg3[%get3A_23, %get3A_24] : memref<512x1xf32, #tpu.memory_space<vmem>>, vector<512x1xf32>
    %mul3A = vector.broadcast %get3A_25 : vector<512x1xf32> to vector<512x256xf32>
    %mul3A_26 = arith.mulf %max3A_20, %mul3A : vector<512x256xf32>
    %get3A_27 = arith.constant 0 : index
    %get3A_28 = arith.constant 0 : index
    %get3A_29 = vector.load %arg7[%get3A_27, %get3A_28] : memref<1x256xf32, #tpu.memory_space<vmem>>, vector<1x256xf32>
    %reduce_sum3A = arith.constant dense<0.000000e+00> : vector<256xf32>
    %reduce_sum3A_30 = vector.multi_reduction <add>, %mul3A_26, %reduce_sum3A [0] : vector<512x256xf32> to vector<256xf32>
    %broadcast_in_dim3A_31 = vector.shape_cast %reduce_sum3A_30 : vector<256xf32> to vector<1x256xf32>
    %add3A_32 = arith.addf %get3A_29, %broadcast_in_dim3A_31 : vector<1x256xf32>
    %swap3A_33 = arith.constant 0 : index
    %swap3A_34 = arith.constant 0 : index
    %swap3A_35 = vector.load %arg7[%swap3A_33, %swap3A_34] : memref<1x256xf32, #tpu.memory_space<vmem>>, vector<1x256xf32>
    tpu.vector_store %arg7[%swap3A_33, %swap3A_34], %add3A_32 {strides = array<i32>} : memref<1x256xf32, #tpu.memory_space<vmem>>, vector<1x256xf32>,
    %get3A_36 = arith.constant 0 : index
    %get3A_37 = arith.constant 0 : index
    %get3A_38 = vector.load %arg8[%get3A_36, %get3A_37] : memref<1x256xf32, #tpu.memory_space<vmem>>, vector<1x256xf32>
    %mul3A_39 = arith.mulf %mul3A_26, %max3A_20 : vector<512x256xf32>
    %reduce_sum3A_40 = arith.constant dense<0.000000e+00> : vector<256xf32>
    %reduce_sum3A_41 = vector.multi_reduction <add>, %mul3A_39, %reduce_sum3A_40 [0] : vector<512x256xf32> to vector<256xf32>
    %broadcast_in_dim3A_42 = vector.shape_cast %reduce_sum3A_41 : vector<256xf32> to vector<1x256xf32>
    %add3A_43 = arith.addf %get3A_38, %broadcast_in_dim3A_42 : vector<1x256xf32>
    %swap3A_44 = arith.constant 0 : index
    %swap3A_45 = arith.constant 0 : index
    %swap3A_46 = vector.load %arg8[%swap3A_44, %swap3A_45] : memref<1x256xf32, #tpu.memory_space<vmem>>, vector<1x256xf32>
    tpu.vector_store %arg8[%swap3A_44, %swap3A_45], %add3A_43 {strides = array<i32>} : memref<1x256xf32, #tpu.memory_space<vmem>>, vector<1x256xf32>,
    %get3A_47 = arith.constant 0 : index
    %get3A_48 = arith.constant 0 : index
    %get3A_49 = vector.load %arg9[%get3A_47, %get3A_48] : memref<1x1xf32, #tpu.memory_space<vmem>>, vector<1x1xf32>
    %reduce_sum3A_50 = vector.shape_cast %get3A_25 : vector<512x1xf32> to vector<1x512x1xf32>
    %reduce_sum3A_51 = arith.constant dense<0.000000e+00> : vector<1xf32>
    %reduce_sum3A_52 = vector.multi_reduction <add>, %reduce_sum3A_50, %reduce_sum3A_51 [1, 2] : vector<1x512x1xf32> to vector<1xf32>
    %reduce_sum3A_53 = vector.shape_cast %reduce_sum3A_52 : vector<1xf32> to vector<1x1x1xf32>
    %reduce_sum3A_54 = vector.extract %reduce_sum3A_53[0, 0, 0] : f32 from vector<1x1x1xf32>
    %add3A_55 = vector.broadcast %reduce_sum3A_54 : f32 to vector<1x1xf32>
    %add3A_56 = arith.addf %get3A_49, %add3A_55 : vector<1x1xf32>
    %swap3A_57 = arith.constant 0 : index
    %swap3A_58 = arith.constant 0 : index
    %swap3A_59 = vector.load %arg9[%swap3A_57, %swap3A_58] : memref<1x1xf32, #tpu.memory_space<vmem>>, vector<1x1xf32>
    tpu.vector_store %arg9[%swap3A_57, %swap3A_58], %add3A_56 {strides = array<i32>} : memref<1x1xf32, #tpu.memory_space<vmem>>, vector<1x1xf32>,
    return
  }
  func.func @transform_0(%arg0: i32) -> (i32, i32) {
    %c0_i32 = arith.constant 0 : i32
    %c0_i32_0 = arith.constant 0 : i32
    return %arg0, %c0_i32 : i32, i32
  }
  func.func @transform_1(%arg0: i32) -> (i32, i32, i32) {
    %c0_i32 = arith.constant 0 : i32
    %c0_i32_0 = arith.constant 0 : i32
    %c0_i32_1 = arith.constant 0 : i32
    return %arg0, %c0_i32, %c0_i32_0 : i32, i32, i32
  }
  func.func @transform_2(%arg0: i32) -> (i32, i32) {
    %c0_i32 = arith.constant 0 : i32
    %c0_i32_0 = arith.constant 0 : i32
    return %arg0, %c0_i32 : i32, i32
  }
  func.func @transform_3(%arg0: i32) -> (i32, i32) {
    %c0_i32 = arith.constant 0 : i32
    %c0_i32_0 = arith.constant 0 : i32
    %c0_i32_1 = arith.constant 0 : i32
    return %c0_i32, %c0_i32_0 : i32, i32
  }
  func.func @transform_4(%arg0: i32) -> (i32, i32) {
    %c0_i32 = arith.constant 0 : i32
    %c0_i32_0 = arith.constant 0 : i32
    %c0_i32_1 = arith.constant 0 : i32
    return %c0_i32, %c0_i32_0 : i32, i32
  }
  func.func @transform_5(%arg0: i32) -> (i32, i32) {
    %c0_i32 = arith.constant 0 : i32
    %c0_i32_0 = arith.constant 0 : i32
    return %arg0, %c0_i32 : i32, i32
  }
  func.func @transform_6(%arg0: i32) -> (i32, i32) {
    %c0_i32 = arith.constant 0 : i32
    %c0_i32_0 = arith.constant 0 : i32
    %c0_i32_1 = arith.constant 0 : i32
    return %c0_i32, %c0_i32_0 : i32, i32
  }
  func.func @transform_7(%arg0: i32) -> (i32, i32) {
    %c0_i32 = arith.constant 0 : i32
    %c0_i32_0 = arith.constant 0 : i32
    %c0_i32_1 = arith.constant 0 : i32
    return %c0_i32, %c0_i32_0 : i32, i32
  }
  func.func @transform_8(%arg0: i32) -> (i32, i32) {
    %c0_i32 = arith.constant 0 : i32
    %c0_i32_0 = arith.constant 0 : i32
    %c0_i32_1 = arith.constant 0 : i32
    return %c0_i32, %c0_i32_0 : i32, i32
  }
}

module attributes {stable_mosaic.version = 14 : i64} {
  func.func @_mlp2_body(%arg0: i32, %arg1: memref<512x256xf32, #tpu.memory_space<vmem>>, %arg2: memref<512x1xf32, #tpu.memory_space<vmem>>, %arg3: memref<1x256xf32, #tpu.memory_space<vmem>>, %arg4: memref<1x256xf32, #tpu.memory_space<vmem>>, %arg5: memref<256x256xf32, #tpu.memory_space<vmem>>, %arg6: memref<1x256xf32, #tpu.memory_space<vmem>>, %arg7: memref<512x256xf32, #tpu.memory_space<vmem>>, %arg8: memref<1x256xf32, #tpu.memory_space<vmem>>, %arg9: memref<1x256xf32, #tpu.memory_space<vmem>>) attributes {dimension_semantics = [#tpu.dimension_semantics<arbitrary>], iteration_bounds = array<i64: 625>, scalar_prefetch = 0 : i64, scratch_operands = 0 : i64, tpu.core_type = #tpu.core_type<tc>, window_params = [{transform_indices = @transform_0, window_bounds = array<i64: 512, 256>}, {transform_indices = @transform_1, window_bounds = array<i64: 512, 1>}, {pipeline_mode = #tpu.pipeline_mode<synchronous>, transform_indices = @transform_2, window_bounds = array<i64: 1, 256>}, {pipeline_mode = #tpu.pipeline_mode<synchronous>, transform_indices = @transform_3, window_bounds = array<i64: 1, 256>}, {pipeline_mode = #tpu.pipeline_mode<synchronous>, transform_indices = @transform_4, window_bounds = array<i64: 256, 256>}, {pipeline_mode = #tpu.pipeline_mode<synchronous>, transform_indices = @transform_5, window_bounds = array<i64: 1, 256>}, {transform_indices = @transform_6, window_bounds = array<i64: 512, 256>}, {pipeline_mode = #tpu.pipeline_mode<synchronous>, transform_indices = @transform_7, window_bounds = array<i64: 1, 256>}, {pipeline_mode = #tpu.pipeline_mode<synchronous>, transform_indices = @transform_8, window_bounds = array<i64: 1, 256>}]} {
    %eq3A = arith.constant 0 : i32
    %eq3A_0 = arith.cmpi eq, %arg0, %eq3A : i32
    %convert_element_type3A = arith.extui %eq3A_0 : i1 to i32
    %cond3A = arith.constant 0 : i32
    %cond3A_1 = arith.cmpi ne, %convert_element_type3A, %cond3A : i32
    scf.if %cond3A_1 {
      %broadcast_in_dim3A_49 = arith.constant 0.000000e+00 : f32
      %broadcast_in_dim3A_50 = vector.broadcast %broadcast_in_dim3A_49 : f32 to vector<1x256xf32>
      %swap3A_51 = arith.constant 0 : index
      %swap3A_52 = arith.constant 0 : index
      %swap3A_53 = vector.load %arg8[%swap3A_51, %swap3A_52] : memref<1x256xf32, #tpu.memory_space<vmem>>, vector<1x256xf32>
      tpu.vector_store %arg8[%swap3A_51, %swap3A_52], %broadcast_in_dim3A_50 {strides = array<i32>} : memref<1x256xf32, #tpu.memory_space<vmem>>, vector<1x256xf32>,
      %broadcast_in_dim3A_54 = arith.constant 0.000000e+00 : f32
      %broadcast_in_dim3A_55 = vector.broadcast %broadcast_in_dim3A_54 : f32 to vector<1x256xf32>
      %swap3A_56 = arith.constant 0 : index
      %swap3A_57 = arith.constant 0 : index
      %swap3A_58 = vector.load %arg9[%swap3A_56, %swap3A_57] : memref<1x256xf32, #tpu.memory_space<vmem>>, vector<1x256xf32>
      tpu.vector_store %arg9[%swap3A_56, %swap3A_57], %broadcast_in_dim3A_55 {strides = array<i32>} : memref<1x256xf32, #tpu.memory_space<vmem>>, vector<1x256xf32>,
    } else {
    }
    %get3A = arith.constant 0 : index
    %get3A_2 = arith.constant 0 : index
    %get3A_3 = vector.load %arg1[%get3A, %get3A_2] : memref<512x256xf32, #tpu.memory_space<vmem>>, vector<512x256xf32>
    %get3A_4 = arith.constant 0 : index
    %get3A_5 = arith.constant 0 : index
    %get3A_6 = vector.load %arg3[%get3A_4, %get3A_5] : memref<1x256xf32, #tpu.memory_space<vmem>>, vector<1x256xf32>
    %mul3A = vector.broadcast %get3A_6 : vector<1x256xf32> to vector<512x256xf32>
    %mul3A_7 = arith.mulf %get3A_3, %mul3A : vector<512x256xf32>
    %get3A_8 = arith.constant 0 : index
    %get3A_9 = arith.constant 0 : index
    %get3A_10 = vector.load %arg4[%get3A_8, %get3A_9] : memref<1x256xf32, #tpu.memory_space<vmem>>, vector<1x256xf32>
    %add3A = vector.broadcast %get3A_10 : vector<1x256xf32> to vector<512x256xf32>
    %add3A_11 = arith.addf %mul3A_7, %add3A : vector<512x256xf32>
    %get3A_12 = arith.constant 0 : index
    %get3A_13 = arith.constant 0 : index
    %get3A_14 = vector.load %arg5[%get3A_12, %get3A_13] : memref<256x256xf32, #tpu.memory_space<vmem>>, vector<256x256xf32>
    %dot_general3A = arith.constant dense<0.000000e+00> : vector<512x256xf32>
    %dot_general3A_15 = tpu.matmul %add3A_11, %get3A_14, %dot_general3A {dimension_numbers = #tpu.dot_dimension_numbers<[1], [0], [0], [1], [0, 0, 1, 1], [], []>, transpose_lhs_hint = false} : vector<512x256xf32>, vector<256x256xf32>, vector<512x256xf32> -> vector<512x256xf32>
    %get3A_16 = arith.constant 0 : index
    %get3A_17 = arith.constant 0 : index
    %get3A_18 = vector.load %arg6[%get3A_16, %get3A_17] : memref<1x256xf32, #tpu.memory_space<vmem>>, vector<1x256xf32>
    %add3A_19 = vector.broadcast %get3A_18 : vector<1x256xf32> to vector<512x256xf32>
    %add3A_20 = arith.addf %dot_general3A_15, %add3A_19 : vector<512x256xf32>
    %max3A = arith.constant 0.000000e+00 : f32
    %max3A_21 = vector.broadcast %max3A : f32 to vector<512x256xf32>
    %max3A_22 = arith.maximumf %add3A_20, %max3A_21 : vector<512x256xf32>
    %swap3A = arith.constant 0 : index
    %swap3A_23 = arith.constant 0 : index
    %swap3A_24 = vector.load %arg7[%swap3A, %swap3A_23] : memref<512x256xf32, #tpu.memory_space<vmem>>, vector<512x256xf32>
    tpu.vector_store %arg7[%swap3A, %swap3A_23], %max3A_22 {strides = array<i32>} : memref<512x256xf32, #tpu.memory_space<vmem>>, vector<512x256xf32>,
    %get3A_25 = arith.constant 0 : index
    %get3A_26 = arith.constant 0 : index
    %get3A_27 = vector.load %arg2[%get3A_25, %get3A_26] : memref<512x1xf32, #tpu.memory_space<vmem>>, vector<512x1xf32>
    %mul3A_28 = vector.broadcast %get3A_27 : vector<512x1xf32> to vector<512x256xf32>
    %mul3A_29 = arith.mulf %max3A_22, %mul3A_28 : vector<512x256xf32>
    %get3A_30 = arith.constant 0 : index
    %get3A_31 = arith.constant 0 : index
    %get3A_32 = vector.load %arg8[%get3A_30, %get3A_31] : memref<1x256xf32, #tpu.memory_space<vmem>>, vector<1x256xf32>
    %reduce_sum3A = arith.constant dense<0.000000e+00> : vector<256xf32>
    %reduce_sum3A_33 = vector.multi_reduction <add>, %mul3A_29, %reduce_sum3A [0] : vector<512x256xf32> to vector<256xf32>
    %broadcast_in_dim3A = vector.shape_cast %reduce_sum3A_33 : vector<256xf32> to vector<1x256xf32>
    %add3A_34 = arith.addf %get3A_32, %broadcast_in_dim3A : vector<1x256xf32>
    %swap3A_35 = arith.constant 0 : index
    %swap3A_36 = arith.constant 0 : index
    %swap3A_37 = vector.load %arg8[%swap3A_35, %swap3A_36] : memref<1x256xf32, #tpu.memory_space<vmem>>, vector<1x256xf32>
    tpu.vector_store %arg8[%swap3A_35, %swap3A_36], %add3A_34 {strides = array<i32>} : memref<1x256xf32, #tpu.memory_space<vmem>>, vector<1x256xf32>,
    %get3A_38 = arith.constant 0 : index
    %get3A_39 = arith.constant 0 : index
    %get3A_40 = vector.load %arg9[%get3A_38, %get3A_39] : memref<1x256xf32, #tpu.memory_space<vmem>>, vector<1x256xf32>
    %mul3A_41 = arith.mulf %mul3A_29, %max3A_22 : vector<512x256xf32>
    %reduce_sum3A_42 = arith.constant dense<0.000000e+00> : vector<256xf32>
    %reduce_sum3A_43 = vector.multi_reduction <add>, %mul3A_41, %reduce_sum3A_42 [0] : vector<512x256xf32> to vector<256xf32>
    %broadcast_in_dim3A_44 = vector.shape_cast %reduce_sum3A_43 : vector<256xf32> to vector<1x256xf32>
    %add3A_45 = arith.addf %get3A_40, %broadcast_in_dim3A_44 : vector<1x256xf32>
    %swap3A_46 = arith.constant 0 : index
    %swap3A_47 = arith.constant 0 : index
    %swap3A_48 = vector.load %arg9[%swap3A_46, %swap3A_47] : memref<1x256xf32, #tpu.memory_space<vmem>>, vector<1x256xf32>
    tpu.vector_store %arg9[%swap3A_46, %swap3A_47], %add3A_45 {strides = array<i32>} : memref<1x256xf32, #tpu.memory_space<vmem>>, vector<1x256xf32>,
    return
  }
  func.func @transform_0(%arg0: i32) -> (i32, i32) {
    %c0_i32 = arith.constant 0 : i32
    %c0_i32_0 = arith.constant 0 : i32
    return %arg0, %c0_i32 : i32, i32
  }
  func.func @transform_1(%arg0: i32) -> (i32, i32) {
    %c0_i32 = arith.constant 0 : i32
    %c0_i32_0 = arith.constant 0 : i32
    return %arg0, %c0_i32 : i32, i32
  }
  func.func @transform_2(%arg0: i32) -> (i32, i32) {
    %c0_i32 = arith.constant 0 : i32
    %c0_i32_0 = arith.constant 0 : i32
    %c0_i32_1 = arith.constant 0 : i32
    return %c0_i32, %c0_i32_0 : i32, i32
  }
  func.func @transform_3(%arg0: i32) -> (i32, i32) {
    %c0_i32 = arith.constant 0 : i32
    %c0_i32_0 = arith.constant 0 : i32
    %c0_i32_1 = arith.constant 0 : i32
    return %c0_i32, %c0_i32_0 : i32, i32
  }
  func.func @transform_4(%arg0: i32) -> (i32, i32) {
    %c0_i32 = arith.constant 0 : i32
    %c0_i32_0 = arith.constant 0 : i32
    %c0_i32_1 = arith.constant 0 : i32
    return %c0_i32, %c0_i32_0 : i32, i32
  }
  func.func @transform_5(%arg0: i32) -> (i32, i32) {
    %c0_i32 = arith.constant 0 : i32
    %c0_i32_0 = arith.constant 0 : i32
    %c0_i32_1 = arith.constant 0 : i32
    return %c0_i32, %c0_i32_0 : i32, i32
  }
  func.func @transform_6(%arg0: i32) -> (i32, i32) {
    %c0_i32 = arith.constant 0 : i32
    %c0_i32_0 = arith.constant 0 : i32
    return %arg0, %c0_i32 : i32, i32
  }
  func.func @transform_7(%arg0: i32) -> (i32, i32) {
    %c0_i32 = arith.constant 0 : i32
    %c0_i32_0 = arith.constant 0 : i32
    %c0_i32_1 = arith.constant 0 : i32
    return %c0_i32, %c0_i32_0 : i32, i32
  }
  func.func @transform_8(%arg0: i32) -> (i32, i32) {
    %c0_i32 = arith.constant 0 : i32
    %c0_i32_0 = arith.constant 0 : i32
    %c0_i32_1 = arith.constant 0 : i32
    return %c0_i32, %c0_i32_0 : i32, i32
  }
}

module attributes {stable_mosaic.version = 14 : i64} {
  func.func @_final_body(%arg0: i32, %arg1: memref<512x256xf32, #tpu.memory_space<vmem>>, %arg2: memref<512x1xf32, #tpu.memory_space<vmem>>, %arg3: memref<1x256xf32, #tpu.memory_space<vmem>>, %arg4: memref<1x256xf32, #tpu.memory_space<vmem>>, %arg5: memref<8x256xf32, #tpu.memory_space<vmem>>) attributes {dimension_semantics = [#tpu.dimension_semantics<arbitrary>], iteration_bounds = array<i64: 625>, scalar_prefetch = 0 : i64, scratch_operands = 0 : i64, tpu.core_type = #tpu.core_type<tc>, window_params = [{transform_indices = @transform_0, window_bounds = array<i64: 512, 256>}, {transform_indices = @transform_1, window_bounds = array<i64: 512, 1>}, {pipeline_mode = #tpu.pipeline_mode<synchronous>, transform_indices = @transform_2, window_bounds = array<i64: 1, 256>}, {pipeline_mode = #tpu.pipeline_mode<synchronous>, transform_indices = @transform_3, window_bounds = array<i64: 1, 256>}, {transform_indices = @transform_4, window_bounds = array<i64: 8, 256>}]} {
    %get3A = arith.constant 0 : index
    %get3A_0 = arith.constant 0 : index
    %get3A_1 = vector.load %arg1[%get3A, %get3A_0] : memref<512x256xf32, #tpu.memory_space<vmem>>, vector<512x256xf32>
    %get3A_2 = arith.constant 0 : index
    %get3A_3 = arith.constant 0 : index
    %get3A_4 = vector.load %arg3[%get3A_2, %get3A_3] : memref<1x256xf32, #tpu.memory_space<vmem>>, vector<1x256xf32>
    %mul3A = vector.broadcast %get3A_4 : vector<1x256xf32> to vector<512x256xf32>
    %mul3A_5 = arith.mulf %get3A_1, %mul3A : vector<512x256xf32>
    %get3A_6 = arith.constant 0 : index
    %get3A_7 = arith.constant 0 : index
    %get3A_8 = vector.load %arg4[%get3A_6, %get3A_7] : memref<1x256xf32, #tpu.memory_space<vmem>>, vector<1x256xf32>
    %add3A = vector.broadcast %get3A_8 : vector<1x256xf32> to vector<512x256xf32>
    %add3A_9 = arith.addf %mul3A_5, %add3A : vector<512x256xf32>
    %get3A_10 = arith.constant 0 : index
    %get3A_11 = arith.constant 0 : index
    %get3A_12 = vector.load %arg2[%get3A_10, %get3A_11] : memref<512x1xf32, #tpu.memory_space<vmem>>, vector<512x1xf32>
    %gt3A = arith.constant 0.000000e+00 : f32
    %gt3A_13 = vector.broadcast %gt3A : f32 to vector<512x1xf32>
    %gt3A_14 = arith.cmpf ogt, %get3A_12, %gt3A_13 : vector<512x1xf32>
    %jit3A = arith.constant 0xFF800000 : f32
    %broadcast_in_dim3A = vector.shape_cast %gt3A_14 : vector<512x1xi1> to vector<512x1xi1>
    %broadcast_in_dim3A_15 = vector.broadcast %broadcast_in_dim3A : vector<512x1xi1> to vector<512x256xi1>
    %broadcast_in_dim3A_16 = vector.broadcast %jit3A : f32 to vector<512x256xf32>
    %select_n3A = arith.select %broadcast_in_dim3A_15, %add3A_9, %broadcast_in_dim3A_16 : vector<512x256xi1>, vector<512x256xf32>
    %reshape3A = vector.shape_cast %select_n3A : vector<512x256xf32> to vector<8x64x256xf32>
    %reduce_max3A = arith.constant dense<0xFF800000> : vector<8x256xf32>
    %reduce_max3A_17 = vector.multi_reduction <maximumf>, %reshape3A, %reduce_max3A [1] : vector<8x64x256xf32> to vector<8x256xf32>
    %swap3A = arith.constant 0 : index
    %swap3A_18 = arith.constant 0 : index
    %swap3A_19 = vector.load %arg5[%swap3A, %swap3A_18] : memref<8x256xf32, #tpu.memory_space<vmem>>, vector<8x256xf32>
    tpu.vector_store %arg5[%swap3A, %swap3A_18], %reduce_max3A_17 {strides = array<i32>} : memref<8x256xf32, #tpu.memory_space<vmem>>, vector<8x256xf32>,
    return
  }
  func.func @transform_0(%arg0: i32) -> (i32, i32) {
    %c0_i32 = arith.constant 0 : i32
    %c0_i32_0 = arith.constant 0 : i32
    return %arg0, %c0_i32 : i32, i32
  }
  func.func @transform_1(%arg0: i32) -> (i32, i32) {
    %c0_i32 = arith.constant 0 : i32
    %c0_i32_0 = arith.constant 0 : i32
    return %arg0, %c0_i32 : i32, i32
  }
  func.func @transform_2(%arg0: i32) -> (i32, i32) {
    %c0_i32 = arith.constant 0 : i32
    %c0_i32_0 = arith.constant 0 : i32
    %c0_i32_1 = arith.constant 0 : i32
    return %c0_i32, %c0_i32_0 : i32, i32
  }
  func.func @transform_3(%arg0: i32) -> (i32, i32) {
    %c0_i32 = arith.constant 0 : i32
    %c0_i32_0 = arith.constant 0 : i32
    %c0_i32_1 = arith.constant 0 : i32
    return %c0_i32, %c0_i32_0 : i32, i32
  }
  func.func @transform_4(%arg0: i32) -> (i32, i32) {
    %c0_i32 = arith.constant 0 : i32
    %c0_i32_0 = arith.constant 0 : i32
    return %arg0, %c0_i32 : i32, i32
  }
}

</mosaic_0001>

<sc_bundles>
// kernel: kernel.8.cloned.1.call-start
scs
__scs_entry_jumppad:
0x0: {  	(pc) =	sbr.rel $0x88, $3  }
0x1: {  	(tag) =	ssettag $0x0;
	lr =	simm.s32 $0x1  }
0x2: {  	[smem:$0x3F96] =	sst lr;
	_ =	strace $0xD0000000  }
0x3: {  	_ = 	snop  }
0x4: {  	_ = 	snop  }
0x5: {  	_ = 	snop  }
0x6: {  	_ = 	snop  }
0x7: {  	_ = 	snop  }
__scs_overlays_trampoline_lowered:
0x8: {  	[smem:$0x3FA5] =	sst s0  }
0x9: {  	[smem:$0x3FA6] =	sst s1  }
0xa: {  	[smem:$0x3FA7] =	sst s2  }
0xb: {  	[smem:$0x3FA8] =	sst s3  }
0xc: {  	[smem:$0x3FA9] =	sst s4  }
0xd: {  	[smem:$0x3FAA] =	sst s5  }
0xe: {  	[smem:$0x3FAB] =	sst s6  }
0xf: {  	[smem:$0x3FAC] =	sst s7  }
0x10: {  	[smem:$0x3FAD] =	sst s8  }
0x11: {  	[smem:$0x3FAE] =	sst s9;
	s0 =	simm.s32 @!p0 $0x0  }
0x12: {  	s1 =	sld [smem:$0x3F94];
	s0 =	simm.s32 @p0 $0x1  }
0x13: {  	[smem:$0x3FAF] =	sst s0;
	s0 =	simm.s32 @!p1 $0x0  }
0x14: {  	s2 =	sld [smem:$0x3F93];
	s0 =	simm.s32 @p1 $0x1  }
0x15: {  	[smem:$0x3FB0] =	sst s0;
	s0 =	simm.s32 @!p2 $0x0  }
0x16: {  	s3 =	sld [smem:$0x3FDB];
	s0 =	simm.s32 @p2 $0x1  }
0x17: {  	s4 =	simm.s32 $0x1BF5;
	[smem:$0x3FB2] =	sst s0  }
0x18: {  	s0 =	sld [smem:$0x3F95];
	_ =	swait.ge [sflag:s4], $0x0  }
0x19: {  	s7 =	sld [smem:$0x3F96]  }
0x1a: {  	s8 =	sadd.s32 $0xFFFFE003, lr  }
0x1b: {  	s9 =	sadd.s32 $0xFFFFFEF7, lr;
	s5 =	simm.s32 $0xFFFFFFFF;
	p2 =	slt.u32 s8, $0xFFFFF086  }
0x1c: {  	p1 =	slt.u32 s9, $0xF7A;
	s5 =	simm.s32 @!p2 $0x0  }
0x1d: {  	s5 =	simm.s32 @p1 $0x1;
	p0 =	seq.s32 s7, s2  }
0x1e: {  	s7 =	smul.u32 @!p0 $0xF7A, s2;
	p2 =	seq.s32 @!p0 s5, $0x0  }
0x1f: {  	s9 =	smul.u32 $0xF7A, s1;
	s8 =	simm.s32 @!p0 $0x1BF5;
	p2 =	por !p2, p0  }
0x20: {  	[sflag:s8] =	ssyncset.s32 @!p0 $0xFFFFF086;
	s6 =	sadd.s32 @!p0 s3, s7;
	s7 =	simm.s32 @!p0 $0x108  }
0x21: {  	s3 =	sadd.s32 s3, s9;
	s6 =	sadd.s32 @!p0 $0x88, s6;
	s7 =	simm.s32 @p2 $0x1082  }
0x22: {  	[simem:s7], [sflag:s8] =	dma.local @!p0 [hbm:s6], $0xF7A  }
0x23: {  	s9 =	sor.u32 $0xD0000000, s2;
	s6 =	simm.s32 $0x108;
	_ =	swait.ge @!p0 [sflag:s8], $0x0  }
0x24: {  	s3 =	sadd.s32 $0x88, s3;
	s6 =	simm.s32 @!p1 $0x1082;
	[sflag:s4] =	ssyncset.s32 $0xFFFFF086  }
0x25: {  	[simem:s6], [sflag:s4] =	dma.local [hbm:s3], $0xF7A  }
0x26: {  	[smem:$0x3F96] =	sst s1;
	(tag) =	ssettag s2;
	_ =	strace s9  }
0x27: {  	s1 =	sld [smem:$0x3FA6]  }
0x28: {  	s2 =	sld [smem:$0x3FA7]  }
0x29: {  	s4 =	sld [smem:$0x3FA9]  }
0x2a: {  	p0 =	seq.s32 s5, $0x0;
	s5 =	sld [smem:$0x3FAA]  }
0x2b: {  	s6 =	sld [smem:$0x3FAB]  }
0x2c: {  	s7 =	sld [smem:$0x3FAC]  }
0x2d: {  	s3 =	simm.s32 $0x108;
	s8 =	sld [smem:$0x3FAD]  }
0x2e: {  	s3 =	simm.s32 @!p0 $0x1082;
	s9 =	sld [smem:$0x3FAE]  }
0x2f: {  	lr =	sadd.s32 s0, s3;
	s0 =	sld [smem:$0x3FA5]  }
0x30: {  	s3 =	sld [smem:$0x3FA8]  }
0x31: {  	[smem:$0x3FB1] =	sst s10  }
0x32: {  	s10 =	sld [smem:$0x3FAF];
	_ =	sdelay $0x3  }
0x33: {  	p0 =	seq.s32 s10, $0x1;
	s10 =	sld [smem:$0x3FB1];
	_ =	sdelay $0x3  }
0x34: {  	[smem:$0x3FB1] =	sst s10  }
0x35: {  	s10 =	sld [smem:$0x3FB0];
	_ =	sdelay $0x3  }
0x36: {  	p1 =	seq.s32 s10, $0x1;
	s10 =	sld [smem:$0x3FB1];
	_ =	sdelay $0x3  }
0x37: {  	[smem:$0x3FB1] =	sst s10  }
0x38: {  	s10 =	sld [smem:$0x3FB2]  }
0x39: {  	_ = 	snop;
	(pc) =	sbr.ind lr, $3  }
0x3a: {  	_ = 	snop  }
0x3b: {  	_ = 	snop  }
0x3c: {  	p2 =	seq.s32 s10, $0x1;
	s10 =	sld [smem:$0x3FB1]  }
0x3d: {  	_ =	shalt  }
0x3e: {  	_ =	shalt  }
0x3f: {  	_ =	shalt  }
0x40: {  	_ =	shalt  }
0x41: {  	_ =	shalt  }
0x42: {  	_ =	shalt  }
0x43: {  	_ =	shalt  }
0x44: {  	_ =	shalt  }
0x45: {  	_ =	shalt  }
0x46: {  	_ =	shalt  }
0x47: {  	_ =	shalt  }
0x48: {  	_ =	shalt  }
0x49: {  	_ =	shalt  }
0x4a: {  	_ =	shalt  }
0x4b: {  	_ =	shalt  }
0x4c: {  	_ =	shalt  }
0x4d: {  	_ =	shalt  }
0x4e: {  	_ =	shalt  }
0x4f: {  	_ =	shalt  }
0x50: {  	_ =	shalt  }
0x51: {  	_ =	shalt  }
0x52: {  	_ =	shalt  }
0x53: {  	_ =	shalt  }
0x54: {  	_ =	shalt  }
0x55: {  	_ =	shalt  }
0x56: {  	_ =	shalt  }
0x57: {  	_ =	shalt  }
0x58: {  	_ =	shalt  }
0x59: {  	_ =	shalt  }
0x5a: {  	_ =	shalt  }
0x5b: {  	_ =	shalt  }
0x5c: {  	_ =	shalt  }
0x5d: {  	_ =	shalt  }
0x5e: {  	_ =	shalt  }
0x5f: {  	_ =	shalt  }
0x60: {  	_ =	shalt  }
0x61: {  	_ =	shalt  }
0x62: {  	_ =	shalt  }
0x63: {  	_ =	shalt  }
0x64: {  	_ =	shalt  }
0x65: {  	_ =	shalt  }
0x66: {  	_ =	shalt  }
0x67: {  	_ =	shalt  }
0x68: {  	_ =	shalt  }
0x69: {  	_ =	shalt  }
0x6a: {  	_ =	shalt  }
0x6b: {  	_ =	shalt  }
0x6c: {  	_ =	shalt  }
0x6d: {  	_ =	shalt  }
0x6e: {  	_ =	shalt  }
0x6f: {  	_ =	shalt  }
0x70: {  	_ =	shalt  }
0x71: {  	_ =	shalt  }
0x72: {  	_ =	shalt  }
0x73: {  	_ =	shalt  }
0x74: {  	_ =	shalt  }
0x75: {  	_ =	shalt  }
0x76: {  	_ =	shalt  }
0x77: {  	_ =	shalt  }
0x78: {  	_ =	shalt  }
0x79: {  	_ =	shalt  }
0x7a: {  	_ =	shalt  }
0x7b: {  	_ =	shalt  }
0x7c: {  	_ =	shalt  }
0x7d: {  	_ =	shalt  }
0x7e: {  	_ =	shalt  }
0x7f: {  	_ =	shalt  }
0x80: {  	_ =	shalt  }
0x81: {  	_ =	shalt  }
0x82: {  	_ =	shalt  }
0x83: {  	_ =	shalt  }
0x84: {  	_ =	shalt  }
0x85: {  	_ =	shalt  }
0x86: {  	_ =	shalt  }
0x87: {  	_ =	shalt  }
.Lfunc_end0:
.L_simem_size_0:
called_computation_lowered:
.L_overlay_start_0:
0x88: {  	s2 =	sld [smem:$0x3FD9]  }
0x89: {  	s3 =	sld [smem:$0x3FFE];
	_ =	sdelay $0x1  }
0x8a: {  	s1 =	srdreg.scid  }
0x8b: {  	s0 =	sand.u32 $0x1, s1  }
0x8c: {  	s16 =	sshll.u32 s0, $0xA;
	s2 =	sadd.s32 s3, s2  }
0x8d: {  	s2 =	sadd.s32 s2, s16  }
0x8e: {  	[smem:$0x3FBD] =	sst s2  }
0x8f: {  	_ = 	snop  }
0x90: {  	(tm) =	ssettm $0x1  }
0x91: {  	s17 =	sld [smem:$0x3FFB];
	_ =	sdelay $0x3  }
0x92: {  	_ =	strace s17  }
0x93: {  	s2 =	sld [smem:$0x3FFC];
	_ =	sdelay $0x3  }
0x94: {  	_ =	strace s2  }
0x95: {  	s2 =	sld [smem:$0x3FFD];
	_ =	sdelay $0x3  }
0x96: {  	_ =	strace s2  }
0x97: {  	_ =	strace $0x8FFFFFFF  }
0x98: {  	s18 =	sld [smem:$0x3FDB];
	_ =	sdelay $0x1  }
0x99: {  	s19 =	simm.s32 $_scs_section_size  }
0x9a: {  	s4 =	simm.s32 $_size__tile_overlayer_lowered;
	s5 =	simm.s32 $_tile_overlayer_lowered  }
0x9b: {  	s22 =	simm.s32 $0x1BFF;
	s21 =	sshll.u32 s5, $0x1;
	s2 =	sadd.s32 s19, s18  }
0x9c: {  	s6 =	simm.s32 $0x0;
	s20 =	sshll.u32 s4, $0x1;
	s4 =	sadd.s32 s21, s2  }
0x9d: {  	[timem:s6], [sflag:s22] =	dma.local [hbm:s4], s20  }
0x9e: {  	_ =	swait.ge [sflag:s22], s20  }
0x9f: {  	s3 =	ssub.s32 $0x0, s20;
	[sflag:s22] =	ssyncset.done $0x0  }
0xa0: {  	[sflag:s22] =	ssyncadd.s32 s3;
	_ =	sdelay $0x1  }
0xa1: {  	s23 =	simm.s32 $0x1B8B  }
0xa2: {  	_ =	swait.ge [sflag:s23], $0x1  }
0xa3: {  	[sflag:s23] =	ssyncset.done $0x0  }
0xa4: {  	s25 =	simm.s32 $0x1B8E;
	s24 =	sld [smem:$0x3FFE];
	[sflag:s23] =	ssyncadd.s32 $0xFFFFFFFF  }
0xa5: {  	s26 =	simm.s32 $execute0_lowered;
	[smem:$0x3FD2] =	sst s25  }
0xa6: {  	s4 =	sshll.u32 s26, $0x1;
	_ =	strace $0x80000046;
	[dreg:$0x1] =	wrdreg $0xFFFFFFFF  }
0xa7: {  	s28 =	simm.s32 $_size_execute0_lowered;
	s2 =	sadd.s32 s2, s4;
	[dreg:$0x0] =	wrdreg $0x0  }
0xa8: {  	s4 =	sshll.u32 s28, $0x1;
	[dreg:$0x2] =	wrdreg s2  }
0xa9: {  	[dreg:$0x3] =	wrdreg s4  }
0xaa: {  	[dreg:$0x4] =	wrdreg $0xC0  }
0xab: {  	_ =	task [dreg:s6], $0x5FFFF  }
0xac: {  	[dreg:$0x1] =	wrdreg $0xFFFFFFFF  }
0xad: {  	[dreg:$0x0] =	wrdreg $0x60  }
0xae: {  	[dreg:$0x2] =	wrdreg s24  }
0xaf: {  	[dreg:$0x3] =	wrdreg $0x9  }
0xb0: {  	_ =	task.clear_ibuf [dreg:s6], $0x4FFFF;
	_ =	strace $0x90000046  }
0xb1: {  	s29 =	simm.s32 $0x9;
	_ =	strace $0x80000048  }
0xb2: {  	_ =	swait.ge [sflag:s29], $0x1  }
0xb3: {  	[sflag:s29] =	ssyncadd.s32 $0xFFFFFFFF  }
0xb4: {  	_ =	strace $0x90000048  }
0xb5: {  	_ =	sfence  }
0xb6: {  	s30 =	sld [smem:$0x0];
	_ =	sdelay $0x2  }
0xb7: {  	s31 =	sshll.u32 s1, $0xD;
	s1 =	sshrl.u32 s1, $0x2  }
0xb8: {  	s3 =	sand.u32 $0x4000, s31;
	s1 =	sadd.s32 s1, s30  }
0xb9: {  	s0 =	sor.u32 s3, s0;
	s1 =	sshll.u32 s1, $0x11  }
0xba: {  	s0 =	sor.u32 s1, s0  }
0xbb: {  	s0 =	sadd.s32 $0x8F2B, s0  }
0xbc: {  	[sflag:s0] =	ssyncadd.remote.s32 $0x1  }
0xbd: {  	_ =	sfence.sel $0xFFFF  }
0xbe: {  	[dreg:$0x0] =	wrdreg $0xFFFFFFFF;
	(pc) =	sbr.abs _section_cstart, $3  }
0xbf: {  	[dreg:$0x1] =	wrdreg $0xFFFFFFFF  }
0xc0: {  	_ =	task.clear_ibuf [dreg:s6], $0x2FFFF;
	_ =	strace $0x9FFFFFFF  }
0xc1: {  	(tm) =	ssettm $0x7FFFFFFF  }
tec
execute0_lowered:
.L_overlay_start_1:
0x0: {  	(tag) =	ssettag $0x1  }
0x1: {  	s5 =	rddreg [dreg:$0x0];
	s1 =	simm.s32 $0x0  }
0x2: {  	s4 =	srdreg.scid;
	s2 =	stileid.u32;
	s11 =	simm.s32 $0x880  }
0x3: {  	s12 =	simm.s32 $0x1080;
	s13 =	simm.s32 $0x1880;
	s14 =	simm.s32 $0x2080  }
0x4: {  	s15 =	simm.s32 $0x2880;
	s16 =	simm.s32 $0x3080;
	s17 =	simm.s32 $0x3880  }
0x5: {  	s18 =	simm.s32 $0x4080;
	s19 =	simm.s32 $0x4880;
	s20 =	simm.s32 $0x5080  }
0x6: {  	s21 =	simm.s32 $0x5880;
	s22 =	simm.s32 $0x6080;
	s23 =	simm.s32 $0x6880  }
0x7: {  	s24 =	simm.s32 $0x7080;
	s28 =	simm.s32 $0x0;
	[smem:$0x7FF] =	sst s1  }
0x8: {  	s3 =	sadd.s32 $0x22E00, s5;
	s7 =	sand.u32 $0x1, s4;
	s4 =	sadd.s32 $0x19000, s5  }
0x9: {  	s8 =	sshll.u32 s2, $0x1;
	s9 =	sshll.u32 s2, $0xD;
	s30 =	sshll.u32 s2, $0x8  }
0xa: {  	_ =	strace $0x80000047;
	s6 =	ssub.s32 $0x2, s7;
	s8 =	sor.u32 s8, s7  }
0xb: {  	s9 =	sadd.s32 s9, s5;
	s29 =	sshll.u32 s7, $0xC;
	s31 =	sshll.u32 s7, $0x7  }
0xc: {  	s10 =	sshrl.u32 s6, $0x1;
	s26 =	ssub.s32 $0x9E3, s8;
	s8 =	sadd.s32 s29, s9  }
0xd: {  	v2 =	vlaneseq.u32;
	s9 =	simm.s32 $0x2;
	s25 =	ssub.s32 s6, s10;
	s6 =	sshrl.u32 s26, $0x5  }
0xe: {  	vm0 =	vmmov $0xffff;
	v1 =	vshrl.u32 v2, $0x3;
	s7 =	sadd.s32 $0x71000, s8;
	s8 =	sor.u32 s31, s30;
	s10 =	simm.s32 $0x80  }
0xf: {  	v0 =	vand.u32 $0x7, v2;
	v2 =	vor.u32 $0x8, v2;
	v1 =	vmul.u32 $0x8, v1;
	s26 =	simm.s32 $0x1;
	s5 =	smax.u32 s25, $0x1;
	s25 =	simm.s32 $0x7880  }
.LBB2_1:
0x10: {  	s29 =	smov.u32 s8;
	s30 =	smov.u32 s7;
	s31 =	smov.u32 s6  }
.LBB2_2:
0x11: {  	s0 =	sshrl.u32 s29, $0x3  }
0x12: {  	s0 =	sadd.s32 s4, s0  }
0x13: {  	[tilespmem:s1], [sflag:$0x2] =	stream.linear.gather [hbm4b:s0+s1], $0x80, $0x38;
	[tilespmem:$0x8080] =	vst v63  }
0x14: {  	_ =	swait.ge [sflag:s9], $0x80  }
0x15: {  	[sflag:s9] =	ssyncset.done $0x0  }
0x16: {  	[sflag:s9] =	ssyncadd.s32 $0xFFFFFF80  }
0x17: {  	v3 =	vld [tilespmem:$0x0];
	_ =	sdelay $0x4  }
0x18: {  	v4 =	vshll.u32 v3, $0x1  }
0x19: {  	v3 =	vand.u32 $0x7, v3;
	v4 =	vand.u32 $0xFFFFFFF0, v4  }
0x1a: {  	v3 =	vor.u32 v3, v4  }
0x1b: {  	v4 =	vperm.xlane v3, v0;
	_ =	sdelay $0x1  }
0x1c: {  	v3 =	vperm.xlane v3, v2;
	v4 =	vadd.s32 v1, v4;
	_ =	sdelay $0x1  }
0x1d: {  	v3 =	vadd.s32 v1, v3;
	_ =	sdelay $0x2  }
0x1e: {  	[tilespmem:s10], [sflag:$0x1] =	stream.indirect_vreg.gather [hbm4b:s3+s1], $0x80, v4, vm0, $0xb8;
	[tilespmem:$0x8080] =	vst v63  }
0x1f: {  	_ = 	snop  }
0x20: {  	[tilespmem:s11], [sflag:$0x1] =	stream.indirect_vreg.gather [hbm4b:s3+s1], $0x80, v3, vm0, $0xb8;
	[tilespmem:$0x8080] =	vst v63  }
0x21: {  	v3 =	vld [tilespmem:$0x10];
	_ =	sdelay $0x4  }
0x22: {  	v57 =	vshll.u32 v3, $0x1  }
0x23: {  	v3 =	vand.u32 $0x7, v3;
	v4 =	vand.u32 $0xFFFFFFF0, v57  }
0x24: {  	v3 =	vor.u32 v3, v4  }
0x25: {  	v4 =	vperm.xlane v3, v0;
	_ =	sdelay $0x1  }
0x26: {  	v3 =	vperm.xlane v3, v2;
	v4 =	vadd.s32 v1, v4;
	_ =	sdelay $0x1  }
0x27: {  	v3 =	vadd.s32 v1, v3;
	_ =	sdelay $0x2  }
0x28: {  	[tilespmem:s12], [sflag:$0x1] =	stream.indirect_vreg.gather [hbm4b:s3+s1], $0x80, v4, vm0, $0xb8;
	[tilespmem:$0x8080] =	vst v63  }
0x29: {  	_ = 	snop  }
0x2a: {  	[tilespmem:s13], [sflag:$0x1] =	stream.indirect_vreg.gather [hbm4b:s3+s1], $0x80, v3, vm0, $0xb8;
	[tilespmem:$0x8080] =	vst v63  }
0x2b: {  	v3 =	vld [tilespmem:$0x20];
	_ =	sdelay $0x4  }
0x2c: {  	v58 =	vshll.u32 v3, $0x1  }
0x2d: {  	v3 =	vand.u32 $0x7, v3;
	v4 =	vand.u32 $0xFFFFFFF0, v58  }
0x2e: {  	v3 =	vor.u32 v3, v4  }
0x2f: {  	v4 =	vperm.xlane v3, v0;
	_ =	sdelay $0x1  }
0x30: {  	v3 =	vperm.xlane v3, v2;
	v4 =	vadd.s32 v1, v4;
	_ =	sdelay $0x1  }
0x31: {  	v3 =	vadd.s32 v1, v3;
	_ =	sdelay $0x2  }
0x32: {  	[tilespmem:s14], [sflag:$0x1] =	stream.indirect_vreg.gather [hbm4b:s3+s1], $0x80, v4, vm0, $0xb8;
	[tilespmem:$0x8080] =	vst v63  }
0x33: {  	_ = 	snop  }
0x34: {  	[tilespmem:s15], [sflag:$0x1] =	stream.indirect_vreg.gather [hbm4b:s3+s1], $0x80, v3, vm0, $0xb8;
	[tilespmem:$0x8080] =	vst v63  }
0x35: {  	v3 =	vld [tilespmem:$0x30];
	_ =	sdelay $0x4  }
0x36: {  	v59 =	vshll.u32 v3, $0x1  }
0x37: {  	v3 =	vand.u32 $0x7, v3;
	v4 =	vand.u32 $0xFFFFFFF0, v59  }
0x38: {  	v3 =	vor.u32 v3, v4  }
0x39: {  	v4 =	vperm.xlane v3, v0;
	_ =	sdelay $0x1  }
0x3a: {  	v3 =	vperm.xlane v3, v2;
	v4 =	vadd.s32 v1, v4;
	_ =	sdelay $0x1  }
0x3b: {  	v3 =	vadd.s32 v1, v3;
	_ =	sdelay $0x2  }
0x3c: {  	[tilespmem:s16], [sflag:$0x1] =	stream.indirect_vreg.gather [hbm4b:s3+s1], $0x80, v4, vm0, $0xb8;
	[tilespmem:$0x8080] =	vst v63  }
0x3d: {  	_ = 	snop  }
0x3e: {  	[tilespmem:s17], [sflag:$0x1] =	stream.indirect_vreg.gather [hbm4b:s3+s1], $0x80, v3, vm0, $0xb8;
	[tilespmem:$0x8080] =	vst v63  }
0x3f: {  	v3 =	vld [tilespmem:$0x40];
	_ =	sdelay $0x4  }
0x40: {  	v60 =	vshll.u32 v3, $0x1  }
0x41: {  	v3 =	vand.u32 $0x7, v3;
	v4 =	vand.u32 $0xFFFFFFF0, v60  }
0x42: {  	v3 =	vor.u32 v3, v4  }
0x43: {  	v4 =	vperm.xlane v3, v0;
	_ =	sdelay $0x1  }
0x44: {  	v3 =	vperm.xlane v3, v2;
	v4 =	vadd.s32 v1, v4;
	_ =	sdelay $0x1  }
0x45: {  	v3 =	vadd.s32 v1, v3;
	_ =	sdelay $0x2  }
0x46: {  	[tilespmem:s18], [sflag:$0x1] =	stream.indirect_vreg.gather [hbm4b:s3+s1], $0x80, v4, vm0, $0xb8;
	[tilespmem:$0x8080] =	vst v63  }
0x47: {  	_ = 	snop  }
0x48: {  	[tilespmem:s19], [sflag:$0x1] =	stream.indirect_vreg.gather [hbm4b:s3+s1], $0x80, v3, vm0, $0xb8;
	[tilespmem:$0x8080] =	vst v63  }
0x49: {  	v3 =	vld [tilespmem:$0x50];
	_ =	sdelay $0x4  }
0x4a: {  	v61 =	vshll.u32 v3, $0x1  }
0x4b: {  	v3 =	vand.u32 $0x7, v3;
	v4 =	vand.u32 $0xFFFFFFF0, v61  }
0x4c: {  	v3 =	vor.u32 v3, v4  }
0x4d: {  	v4 =	vperm.xlane v3, v0;
	_ =	sdelay $0x1  }
0x4e: {  	v3 =	vperm.xlane v3, v2;
	v4 =	vadd.s32 v1, v4;
	_ =	sdelay $0x1  }
0x4f: {  	v3 =	vadd.s32 v1, v3;
	_ =	sdelay $0x2  }
0x50: {  	[tilespmem:s20], [sflag:$0x1] =	stream.indirect_vreg.gather [hbm4b:s3+s1], $0x80, v4, vm0, $0xb8;
	[tilespmem:$0x8080] =	vst v63  }
0x51: {  	_ = 	snop  }
0x52: {  	[tilespmem:s21], [sflag:$0x1] =	stream.indirect_vreg.gather [hbm4b:s3+s1], $0x80, v3, vm0, $0xb8;
	[tilespmem:$0x8080] =	vst v63  }
0x53: {  	v3 =	vld [tilespmem:$0x60];
	_ =	sdelay $0x4  }
0x54: {  	v62 =	vshll.u32 v3, $0x1  }
0x55: {  	v3 =	vand.u32 $0x7, v3;
	v4 =	vand.u32 $0xFFFFFFF0, v62  }
0x56: {  	v3 =	vor.u32 v3, v4  }
0x57: {  	v4 =	vperm.xlane v3, v0;
	_ =	sdelay $0x1  }
0x58: {  	v3 =	vperm.xlane v3, v2;
	v4 =	vadd.s32 v1, v4;
	_ =	sdelay $0x1  }
0x59: {  	v3 =	vadd.s32 v1, v3;
	_ =	sdelay $0x2  }
0x5a: {  	[tilespmem:s22], [sflag:$0x1] =	stream.indirect_vreg.gather [hbm4b:s3+s1], $0x80, v4, vm0, $0xb8;
	[tilespmem:$0x8080] =	vst v63  }
0x5b: {  	_ = 	snop  }
0x5c: {  	[tilespmem:s23], [sflag:$0x1] =	stream.indirect_vreg.gather [hbm4b:s3+s1], $0x80, v3, vm0, $0xb8;
	[tilespmem:$0x8080] =	vst v63  }
0x5d: {  	v3 =	vld [tilespmem:$0x70];
	_ =	sdelay $0x4  }
0x5e: {  	v63 =	vshll.u32 v3, $0x1  }
0x5f: {  	v3 =	vand.u32 $0x7, v3;
	v4 =	vand.u32 $0xFFFFFFF0, v63  }
0x60: {  	v3 =	vor.u32 v3, v4  }
0x61: {  	v4 =	vperm.xlane v3, v0;
	_ =	sdelay $0x1  }
0x62: {  	v3 =	vperm.xlane v3, v2;
	v4 =	vadd.s32 v1, v4;
	_ =	sdelay $0x1  }
0x63: {  	v3 =	vadd.s32 v1, v3;
	_ =	sdelay $0x2  }
0x64: {  	[tilespmem:s24], [sflag:$0x1] =	stream.indirect_vreg.gather [hbm4b:s3+s1], $0x80, v4, vm0, $0xb8;
	[tilespmem:$0x8080] =	vst v63  }
0x65: {  	_ = 	snop  }
0x66: {  	[tilespmem:s25], [sflag:$0x1] =	stream.indirect_vreg.gather [hbm4b:s3+s1], $0x80, v3, vm0, $0xb8;
	[tilespmem:$0x8080] =	vst v63  }
0x67: {  	_ =	swait.ge [sflag:s26], $0x8000  }
0x68: {  	p0 =	sne.s32 s31, $0x1;
	[sflag:s26] =	ssyncset.done $0x0  }
.Ltmp0:
0x69: {  	[sflag:s26] =	ssyncadd.s32 $0xFFFF8000;
	(pc) =	sbr.rel @p0 .LBB2_2-.Ltmp0, $4  }
0x6a: {  	[hbm4b:s30+s1] =	stream.linear.scatter [tilespmem:s10], [sflag:$0x2], $0x8000, $0x38;
	[tilespmem:$0x8080] =	vst v63  }
0x6b: {  	_ =	swait.ge [sflag:s9], $0x8000  }
0x6c: {  	s29 =	sadd.s32 $0x1000, s29;
	[sflag:s9] =	ssyncset.done $0x0  }
0x6d: {  	s31 =	sadd.s32 $0xFFFFFFFF, s31;
	s30 =	sadd.s32 $0x20000, s30;
	[sflag:s9] =	ssyncadd.s32 $0xFFFF8000  }
0x6e: {  	s28 =	sadd.s32 $0x1, s28  }
0x6f: {  	p0 =	sne.s32 s28, s5  }
.Ltmp1:
0x70: {  	_ = 	snop;
	(pc) =	sbr.rel @p0 .LBB2_1-.Ltmp1, $1  }
0x71: {  	_ =	sdelay $0x3  }
0x72: {  	_ =	sfence.sel $0x180000  }
0x73: {  	[bflag:$0x0] =	sbarrier.arrive $0xFFFF  }
0x74: {  	_ =	strace $0x90000047  }
0x75: {  	[bflag:$0x2] =	sbarrier.arrive $0xFFFF  }
0x76: {  	p0 =	sne.s32 s2, $0x0;
	s0 =	rddreg [dreg:$0x1]  }
0x77: {  	s0 =	sadd.s32 @!p0 $0x100000, s0  }
0x78: {  	[sflag:s0] =	ssyncadd.tile.s32 @!p0 $0x1;
	_ =	shalt  }
.Lfunc_end2:
_tile_overlayer_lowered:
.L_overlay_start_2:
0x79: {  	(tag) =	ssettag $0x2  }
0x7a: {  	s0 =	rddreg [dreg:$0x0];
	s2 =	stileid.u32  }
0x7b: {  	s1 =	rddreg [dreg:$0x1];
	p0 =	sne.s32 s2, $0x0  }
0x7c: {  	s3 =	rddreg [dreg:$0x2];
	[bflag:$0x3] =	sbarrier.arrive $0xFFFF;
	s2 =	simm.s32 @!p0 $0x1C02  }
0x7d: {  	[timem:s3], [sflag:s2] =	dma.local @!p0 [hbm:s0], s1  }
0x7e: {  	s0 =	simm.s32 @!p0 $0x2  }
0x7f: {  	_ =	swait.ge @!p0 [sflag:s0], s1  }
0x80: {  	s1 =	ssub.s32 @!p0 $0x0, s1;
	[sflag:s0] =	ssyncset.done @!p0 $0x0  }
0x81: {  	[sflag:s0] =	ssyncadd.s32 @!p0 s1  }
0x82: {  	[bflag:$0x3] =	sbarrier.arrive $0xFFFF  }
0x83: {  	_ =	shalt  }

</sc_bundles>
